<compile_context>
chip_gen: v7x
topology: tpu7x:2x2x1
jax: 0.10.2.dev20260603
libtpu: 0.0.44.dev20260713+nightly
codegen_flags: <defaults>
</compile_context>

<pallas_src>
import jax
import jax.numpy as jnp
from jax import lax
from jax.experimental import pallas as pl
from jax.experimental.pallas import tpu as pltpu
from jax.experimental.pallas import tpu_sc as plsc

_N_NODES = 10000
_N_EDGES = 320000
_D = 128
_NCLS = 64
_B = 10000

_NC = 2
_NS = 16
_NW = _NC * _NS

_PEDGES = _N_EDGES // _NW
_CHUNK = 40
_NCH = _PEDGES // _CHUNK
_NBUF = 6

_EXP = 624
_EXP_TAIL = _N_NODES - _NS * _EXP

_BPAD = 10240
_PERW = _BPAD // _NW
_GCH = 80
_NGCH = _PERW // _GCH

_mesh = plsc.VectorSubcoreMesh(
    core_axis_name="c", subcore_axis_name="s", num_cores=_NC, num_subcores=_NS)


def _scatter_body(esrc_ref, edst_ref, x_ref, zx_ref, zdeg_ref,
                  psum_ref, pdeg_ref, sall, dall, acc):
    c = lax.axis_index("c")
    s = lax.axis_index("s")
    wid = s * _NC + c

    row0 = s * _EXP
    pltpu.sync_copy(zx_ref, acc.at[pl.ds(row0, _EXP)])

    @pl.when(s == _NS - 1)
    def _init_tail():
        pltpu.sync_copy(zx_ref.at[pl.ds(0, _EXP_TAIL)],
                        acc.at[pl.ds(_NS * _EXP, _EXP_TAIL)])

    e0 = wid * _PEDGES
    pltpu.sync_copy(esrc_ref.at[pl.ds(e0, _PEDGES)], sall)
    pltpu.sync_copy(edst_ref.at[pl.ds(e0, _PEDGES)], dall)
    plsc.subcore_barrier()

    def _main(rows, *sems):
        gsem = list(sems[:_NBUF])
        ssem = list(sems[_NBUF:])

        def _issue(j, b):
            pltpu.async_copy(x_ref.at[sall.at[pl.ds(j * _CHUNK, _CHUNK)]],
                             rows.at[b], gsem[b])

        def _consume(j, b):
            pltpu.make_async_copy(x_ref.at[pl.ds(0, _CHUNK)],
                                  rows.at[b], gsem[b]).wait()
            pltpu.async_copy(rows.at[b],
                             acc.at[dall.at[pl.ds(j * _CHUNK, _CHUNK)]],
                             ssem[b], add=True)

        def _drain_scatter(b):
            pltpu.make_async_copy(rows.at[b], acc.at[pl.ds(0, _CHUNK)],
                                  ssem[b]).wait()

        for b in range(_NBUF):
            _issue(b, b)

        def group_step(g, carry):
            for b in range(_NBUF):
                j = g * _NBUF + b
                _consume(j, b)
                nxt = j + _NBUF

                @pl.when(nxt < _NCH)
                def _reissue():
                    _drain_scatter(b)
                    _issue(nxt, b)
            return carry
        lax.fori_loop(0, _NCH // _NBUF, group_step, 0)
        for t, j in enumerate(range((_NCH // _NBUF) * _NBUF, _NCH)):
            _consume(j, t)
        for b in range(_NBUF):
            _drain_scatter(b)

    pl.run_scoped(
        _main,
        pltpu.VMEM((_NBUF, _CHUNK, _D), jnp.float32),
        *([pltpu.SemaphoreType.DMA] * (2 * _NBUF)),
    )

    def _deg(degloc):
        pltpu.sync_copy(zdeg_ref, degloc)
        one16 = jnp.ones((16,), jnp.float32)

        def step(i, carry):
            dvec = dall[pl.ds(i * 16, 16)]
            plsc.addupdate_scatter(degloc, [dvec], one16)
            return carry
        lax.fori_loop(0, _PEDGES // 16, step, 0)
        pltpu.sync_copy(degloc, pdeg_ref.at[wid])

    pl.run_scoped(_deg, pltpu.VMEM((_N_NODES,), jnp.float32))

    plsc.subcore_barrier()
    pltpu.sync_copy(acc.at[pl.ds(row0, _EXP)],
                    psum_ref.at[c, pl.ds(row0, _EXP)])

    @pl.when(s == _NS - 1)
    def _exp_tail():
        pltpu.sync_copy(acc.at[pl.ds(_NS * _EXP, _EXP_TAIL)],
                        psum_ref.at[c, pl.ds(_NS * _EXP, _EXP_TAIL)])


_scatter_call = pl.kernel(
    _scatter_body,
    out_type=(
        jax.ShapeDtypeStruct((_NC, _N_NODES, _D), jnp.float32),
        jax.ShapeDtypeStruct((_NW, _N_NODES), jnp.float32),
    ),
    mesh=_mesh,
    compiler_params=pltpu.CompilerParams(needs_layout_passes=False),
    scratch_types=(
        pltpu.VMEM((_PEDGES,), jnp.int32),
        pltpu.VMEM((_PEDGES,), jnp.int32),
        pltpu.VMEM_SHARED((_N_NODES, _D), jnp.float32),
    ),
)


def _dense_body(x_ref, p_ref, pd_ref, ws_ref, wn_ref, wc_ref, out_ref):
    nsum = p_ref[0] + p_ref[1]
    deg = jnp.sum(pd_ref[...], axis=1, keepdims=True)
    mean = nsum * (1.0 / jnp.maximum(deg, 1.0))
    e = lax.dot_general(x_ref[...], ws_ref[...], (((1,), (1,)), ((), ())),
                        preferred_element_type=jnp.float32)
    e += lax.dot_general(mean, wn_ref[...], (((1,), (1,)), ((), ())),
                         preferred_element_type=jnp.float32)
    e = jnp.maximum(e, 0.0)
    out_ref[...] = lax.dot_general(e, wc_ref[...], (((1,), (1,)), ((), ())),
                                   preferred_element_type=jnp.float32)


_BLK = 1000


def _dense_call(x, psum, pdeg, w_self, w_neigh, weight):
    grid = _N_NODES // _BLK
    return pl.pallas_call(
        _dense_body,
        grid=(grid,),
        in_specs=[
            pl.BlockSpec((_BLK, _D), lambda i: (i, 0)),
            pl.BlockSpec((_NC, _BLK, _D), lambda i: (0, i, 0)),
            pl.BlockSpec((_BLK, _NW), lambda i: (i, 0)),
            pl.BlockSpec((256, _D), lambda i: (0, 0)),
            pl.BlockSpec((256, _D), lambda i: (0, 0)),
            pl.BlockSpec((_D, 256), lambda i: (0, 0)),
        ],
        out_specs=pl.BlockSpec((_BLK, _D), lambda i: (i, 0)),
        out_shape=jax.ShapeDtypeStruct((_N_NODES, _D), jnp.float32),
    )(x, psum, pdeg, w_self, w_neigh, weight)


def _gather_body(nodes_ref, s_ref, out_ref, nall, grows, h0, h1, h2, h3):
    c = lax.axis_index("c")
    s = lax.axis_index("s")
    wid = s * _NC + c
    base = wid * _PERW
    sems = [h0, h1, h2, h3]
    pltpu.sync_copy(nodes_ref.at[pl.ds(base, _PERW)], nall)
    for j in range(_NGCH):
        pltpu.async_copy(s_ref.at[nall.at[pl.ds(j * _GCH, _GCH)]],
                         grows.at[j], sems[j])
    for j in range(_NGCH):
        pltpu.make_async_copy(s_ref.at[pl.ds(0, _GCH)],
                              grows.at[j], sems[j]).wait()
        pltpu.sync_copy(grows.at[j],
                        out_ref.at[pl.ds(base + j * _GCH, _GCH)])


_gather_call = pl.kernel(
    _gather_body,
    out_type=jax.ShapeDtypeStruct((_BPAD, _D), jnp.float32),
    mesh=_mesh,
    compiler_params=pltpu.CompilerParams(needs_layout_passes=False),
    scratch_types=(
        pltpu.VMEM((_PERW,), jnp.int32),
        pltpu.VMEM((_NGCH, _GCH, _D), jnp.float32),
        pltpu.SemaphoreType.DMA,
        pltpu.SemaphoreType.DMA,
        pltpu.SemaphoreType.DMA,
        pltpu.SemaphoreType.DMA,
    ),
)


def kernel(nodes, x, edge_index, W_enc, weight):
    edge = edge_index.astype(jnp.int32)
    nodes32 = nodes.astype(jnp.int32)
    zx = jnp.zeros((_EXP, _D), jnp.float32)
    zdeg = jnp.zeros((_N_NODES,), jnp.float32)
    psum, pdeg = _scatter_call(edge[0], edge[1], x, zx, zdeg)
    w_self = W_enc[:, :_D]
    w_neigh = W_enc[:, _D:]
    weight_pad = jnp.pad(weight, ((0, _D - _NCLS), (0, 0)))
    scores = _dense_call(x, psum, pdeg.T, w_self, w_neigh, weight_pad)
    nodes_pad = jnp.concatenate(
        [nodes32, jnp.zeros((_BPAD - _B,), jnp.int32)])
    out_pad = _gather_call(nodes_pad, scores)
    return out_pad[:_B, :_NCLS]

# --- scband reference (transcript-rebuilt; emitter-appended) ---
"""Pipeline reference for scband-supervised-graph-sage-76012331204948 (READ-ONLY COPY).

The authoritative reference and input builder live on the scoring server;
editing this copy changes nothing except your own understanding.
"""

import jax, jax.numpy as jnp
import numpy as np

N_NODES = 10000
N_EDGES = 320000
D_FEAT = 128
EMBED_DIM = 256
NUM_CLASSES = 64
BATCH = 10000


def setup_inputs(seed: int = 0) -> dict:
    key = jax.random.key(seed)
    k1, k2, k3, k4, k5 = jax.random.split(key, 5)
    nodes = jax.random.randint(k1, (BATCH,), 0, N_NODES)
    x = jax.random.normal(k2, (N_NODES, D_FEAT), dtype=jnp.float32)
    edge_index = jax.random.randint(k3, (2, N_EDGES), 0, N_NODES)
    # GraphSAGE encoder weight: maps concat(self, neigh_mean) [2*D] -> embed_dim
    W_enc = jax.random.normal(k4, (EMBED_DIM, 2 * D_FEAT), dtype=jnp.float32) * (1.0 / np.sqrt(2 * D_FEAT))
    # Classifier weight (xavier-uniform init in original)
    weight = jax.random.normal(k5, (NUM_CLASSES, EMBED_DIM), dtype=jnp.float32) * (1.0 / np.sqrt(EMBED_DIM))
    return {"nodes": nodes, "x": x, "edge_index": edge_index, "W_enc": W_enc, "weight": weight}


def reference(nodes, x, edge_index, W_enc, weight):
    src = edge_index[0]
    dst = edge_index[1]
    # Mean aggregator over in-neighbors for all nodes (gather + scatter-add)
    neigh_sum = jax.ops.segment_sum(jnp.take(x, src, axis=0), dst, num_segments=N_NODES)
    deg = jax.ops.segment_sum(jnp.ones((N_EDGES,), dtype=x.dtype), dst, num_segments=N_NODES)
    neigh_mean = neigh_sum / jnp.clip(deg, 1.0)[:, None]
    # Encoder: gather batch nodes, concat self + aggregated, linear + relu -> [embed_dim, B]
    combined = jnp.concatenate([jnp.take(x, nodes, axis=0), jnp.take(neigh_mean, nodes, axis=0)], axis=1)
    embeds = jax.nn.relu(W_enc @ combined.T)  # [embed_dim, B]
    # scores = self.weight.mm(embeds); return scores.t()
    scores = weight @ embeds  # [num_classes, B]
    return scores.T  # [B, num_classes]

if __name__ == "__main__":
    import jax
    _d = setup_inputs()
    print(jax.jit(kernel)(*tuple(_d.values())))

</pallas_src>

<mosaic_0001>
#map = affine_map<(d0, d1) -> (0)>
#map1 = affine_map<(d0, d1) -> (0, 0)>
#map2 = affine_map<(d0, d1) -> (0, 0, 0)>
module attributes {stable_mosaic.version = 14 : i64} {
  func.func @_scatter_body(%arg0: i32, %arg1: i32, %arg2: memref<320000xi32, #tpu.memory_space<hbm>>, %arg3: memref<320000xi32, #tpu.memory_space<hbm>>, %arg4: memref<10000x128xf32, #tpu.memory_space<hbm>>, %arg5: memref<624x128xf32, #tpu.memory_space<hbm>>, %arg6: memref<10000xf32, #tpu.memory_space<hbm>>, %arg7: memref<2x10000x128xf32, #tpu.memory_space<hbm>>, %arg8: memref<32x10000xf32, #tpu.memory_space<hbm>>, %arg9: memref<10000xi32, #tpu.memory_space<vmem>>, %arg10: memref<10000xi32, #tpu.memory_space<vmem>>, %arg11: memref<10000x128xf32, #tpu.memory_space<vmem_shared>>) attributes {dimension_semantics = [#tpu.dimension_semantics<core_parallel>, #tpu.dimension_semantics<subcore_parallel>], iteration_bounds = array<i64: 2, 16>, scalar_prefetch = 0 : i64, scratch_operands = 3 : i64, tpu.core_type = #tpu.core_type<sc_vector_subcore>, window_params = [{transform_indices = #map}, {transform_indices = #map}, {transform_indices = #map1}, {transform_indices = #map1}, {transform_indices = #map}, {transform_indices = #map2}, {transform_indices = #map1}]} {
    %mul3A = arith.constant 2 : i32
    %mul3A_0 = arith.muli %arg1, %mul3A : i32
    %add3A = arith.addi %mul3A_0, %arg0 : i32
    %mul3A_1 = arith.constant 624 : i32
    %mul3A_2 = arith.muli %arg1, %mul3A_1 : i32
    "tpu.region"() ({
      %run_scoped3A = tpu.sem_alloc : memref<!tpu.dma_semaphore, #tpu.memory_space<semaphore_mem>>
      %dma_start3A = arith.constant 0 : i32
      %dma_start3A_13 = tpu.memref_slice %arg11[%mul3A_2, %dma_start3A] : memref<10000x128xf32, #tpu.memory_space<vmem_shared>> -> memref<624x128xf32, #tpu.memory_space<vmem_shared>>
      tpu.enqueue_dma source(%arg5 : memref<624x128xf32, #tpu.memory_space<hbm>>) target(%dma_start3A_13 : memref<624x128xf32, #tpu.memory_space<vmem_shared>>) target_semaphore(%run_scoped3A : memref<!tpu.dma_semaphore, #tpu.memory_space<semaphore_mem>>)
      %dma_wait3A = arith.constant 0 : i32
      %dma_wait3A_14 = tpu.memref_slice %arg11[%mul3A_2, %dma_wait3A] : memref<10000x128xf32, #tpu.memory_space<vmem_shared>> -> memref<624x128xf32, #tpu.memory_space<vmem_shared>>
      tpu.wait_dma2 semaphore(%run_scoped3A : memref<!tpu.dma_semaphore, #tpu.memory_space<semaphore_mem>>) src(%arg5 : memref<624x128xf32, #tpu.memory_space<hbm>>) dst(%dma_wait3A_14 : memref<624x128xf32, #tpu.memory_space<vmem_shared>>)
      tpu.yield
    }) : () -> ()
    %eq3A = arith.constant 15 : i32
    %eq3A_3 = arith.cmpi eq, %arg1, %eq3A : i32
    %convert_element_type3A = arith.extui %eq3A_3 : i1 to i32
    %cond3A = arith.constant 0 : i32
    %cond3A_4 = arith.cmpi ne, %convert_element_type3A, %cond3A : i32
    scf.if %cond3A_4 {
      "tpu.region"() ({
        %run_scoped3A = tpu.sem_alloc : memref<!tpu.dma_semaphore, #tpu.memory_space<semaphore_mem>>
        %dma_start3A = arith.constant 9984 : i32
        %dma_start3A_13 = arith.constant 0 : i32
        %dma_start3A_14 = tpu.memref_slice %arg11[%dma_start3A, %dma_start3A_13] : memref<10000x128xf32, #tpu.memory_space<vmem_shared>> -> memref<16x128xf32, #tpu.memory_space<vmem_shared>>
        %dma_start3A_15 = arith.constant 0 : i32
        %dma_start3A_16 = arith.constant 0 : i32
        %dma_start3A_17 = tpu.memref_slice %arg5[%dma_start3A_15, %dma_start3A_16] : memref<624x128xf32, #tpu.memory_space<hbm>> -> memref<16x128xf32, #tpu.memory_space<hbm>>
        tpu.enqueue_dma source(%dma_start3A_17 : memref<16x128xf32, #tpu.memory_space<hbm>>) target(%dma_start3A_14 : memref<16x128xf32, #tpu.memory_space<vmem_shared>>) target_semaphore(%run_scoped3A : memref<!tpu.dma_semaphore, #tpu.memory_space<semaphore_mem>>)
        %dma_wait3A = arith.constant 9984 : i32
        %dma_wait3A_18 = arith.constant 0 : i32
        %dma_wait3A_19 = tpu.memref_slice %arg11[%dma_wait3A, %dma_wait3A_18] : memref<10000x128xf32, #tpu.memory_space<vmem_shared>> -> memref<16x128xf32, #tpu.memory_space<vmem_shared>>
        %dma_wait3A_20 = arith.constant 0 : i32
        %dma_wait3A_21 = arith.constant 0 : i32
        %dma_wait3A_22 = tpu.memref_slice %arg5[%dma_wait3A_20, %dma_wait3A_21] : memref<624x128xf32, #tpu.memory_space<hbm>> -> memref<16x128xf32, #tpu.memory_space<hbm>>
        tpu.wait_dma2 semaphore(%run_scoped3A : memref<!tpu.dma_semaphore, #tpu.memory_space<semaphore_mem>>) src(%dma_wait3A_22 : memref<16x128xf32, #tpu.memory_space<hbm>>) dst(%dma_wait3A_19 : memref<16x128xf32, #tpu.memory_space<vmem_shared>>)
        tpu.yield
      }) : () -> ()
    } else {
    }
    %mul3A_5 = arith.constant 10000 : i32
    %mul3A_6 = arith.muli %add3A, %mul3A_5 : i32
    "tpu.region"() ({
      %run_scoped3A = tpu.sem_alloc : memref<!tpu.dma_semaphore, #tpu.memory_space<semaphore_mem>>
      %dma_start3A = tpu.memref_slice %arg2[%mul3A_6] : memref<320000xi32, #tpu.memory_space<hbm>> -> memref<10000xi32, #tpu.memory_space<hbm>>
      %dma_start3A_13 = tpu.memref_slice %arg2[%mul3A_6] : memref<320000xi32, #tpu.memory_space<hbm>> -> memref<10000xi32, #tpu.memory_space<hbm>>
      tpu.enqueue_dma source(%dma_start3A_13 : memref<10000xi32, #tpu.memory_space<hbm>>) target(%arg9 : memref<10000xi32, #tpu.memory_space<vmem>>) target_semaphore(%run_scoped3A : memref<!tpu.dma_semaphore, #tpu.memory_space<semaphore_mem>>)
      %dma_wait3A = tpu.memref_slice %arg2[%mul3A_6] : memref<320000xi32, #tpu.memory_space<hbm>> -> memref<10000xi32, #tpu.memory_space<hbm>>
      %dma_wait3A_14 = tpu.memref_slice %arg2[%mul3A_6] : memref<320000xi32, #tpu.memory_space<hbm>> -> memref<10000xi32, #tpu.memory_space<hbm>>
      tpu.wait_dma2 semaphore(%run_scoped3A : memref<!tpu.dma_semaphore, #tpu.memory_space<semaphore_mem>>) src(%dma_wait3A_14 : memref<10000xi32, #tpu.memory_space<hbm>>) dst(%arg9 : memref<10000xi32, #tpu.memory_space<vmem>>)
      tpu.yield
    }) : () -> ()
    "tpu.region"() ({
      %run_scoped3A = tpu.sem_alloc : memref<!tpu.dma_semaphore, #tpu.memory_space<semaphore_mem>>
      %dma_start3A = tpu.memref_slice %arg3[%mul3A_6] : memref<320000xi32, #tpu.memory_space<hbm>> -> memref<10000xi32, #tpu.memory_space<hbm>>
      %dma_start3A_13 = tpu.memref_slice %arg3[%mul3A_6] : memref<320000xi32, #tpu.memory_space<hbm>> -> memref<10000xi32, #tpu.memory_space<hbm>>
      tpu.enqueue_dma source(%dma_start3A_13 : memref<10000xi32, #tpu.memory_space<hbm>>) target(%arg10 : memref<10000xi32, #tpu.memory_space<vmem>>) target_semaphore(%run_scoped3A : memref<!tpu.dma_semaphore, #tpu.memory_space<semaphore_mem>>)
      %dma_wait3A = tpu.memref_slice %arg3[%mul3A_6] : memref<320000xi32, #tpu.memory_space<hbm>> -> memref<10000xi32, #tpu.memory_space<hbm>>
      %dma_wait3A_14 = tpu.memref_slice %arg3[%mul3A_6] : memref<320000xi32, #tpu.memory_space<hbm>> -> memref<10000xi32, #tpu.memory_space<hbm>>
      tpu.wait_dma2 semaphore(%run_scoped3A : memref<!tpu.dma_semaphore, #tpu.memory_space<semaphore_mem>>) src(%dma_wait3A_14 : memref<10000xi32, #tpu.memory_space<hbm>>) dst(%arg10 : memref<10000xi32, #tpu.memory_space<vmem>>)
      tpu.yield
    }) : () -> ()
    %barrier3A = arith.constant 0 : index
    tpu.barrier barrier_id(%barrier3A)
    "tpu.region"() ({
      %run_scoped3A = memref.alloca() : memref<6x40x128xf32, #tpu.memory_space<vmem>>
      %run_scoped3A_13 = tpu.sem_alloc : memref<!tpu.dma_semaphore, #tpu.memory_space<semaphore_mem>>
      %run_scoped3A_14 = tpu.sem_alloc : memref<!tpu.dma_semaphore, #tpu.memory_space<semaphore_mem>>
      %run_scoped3A_15 = tpu.sem_alloc : memref<!tpu.dma_semaphore, #tpu.memory_space<semaphore_mem>>
      %run_scoped3A_16 = tpu.sem_alloc : memref<!tpu.dma_semaphore, #tpu.memory_space<semaphore_mem>>
      %run_scoped3A_17 = tpu.sem_alloc : memref<!tpu.dma_semaphore, #tpu.memory_space<semaphore_mem>>
      %run_scoped3A_18 = tpu.sem_alloc : memref<!tpu.dma_semaphore, #tpu.memory_space<semaphore_mem>>
      %run_scoped3A_19 = tpu.sem_alloc : memref<!tpu.dma_semaphore, #tpu.memory_space<semaphore_mem>>
      %run_scoped3A_20 = tpu.sem_alloc : memref<!tpu.dma_semaphore, #tpu.memory_space<semaphore_mem>>
      %run_scoped3A_21 = tpu.sem_alloc : memref<!tpu.dma_semaphore, #tpu.memory_space<semaphore_mem>>
      %run_scoped3A_22 = tpu.sem_alloc : memref<!tpu.dma_semaphore, #tpu.memory_space<semaphore_mem>>
      %run_scoped3A_23 = tpu.sem_alloc : memref<!tpu.dma_semaphore, #tpu.memory_space<semaphore_mem>>
      %run_scoped3A_24 = tpu.sem_alloc : memref<!tpu.dma_semaphore, #tpu.memory_space<semaphore_mem>>
      %dma_start3A = arith.constant 0 : i32
      %dma_start3A_25 = arith.constant 0 : i32
      %dma_start3A_26 = arith.constant 0 : i32
      %dma_start3A_27 = tpu.memref_slice %run_scoped3A[%dma_start3A, %dma_start3A_25, %dma_start3A_26] : memref<6x40x128xf32, #tpu.memory_space<vmem>> -> memref<1x40x128xf32, #tpu.memory_space<vmem>>
      %dma_start3A_28 = tpu.memref_squeeze %dma_start3A_27 : memref<1x40x128xf32, #tpu.memory_space<vmem>> -> memref<40x128xf32, #tpu.memory_space<vmem>>
      %dma_start3A_29 = arith.constant 0 : i32
      %dma_start3A_30 = tpu.memref_slice %arg9[%dma_start3A_29] : memref<10000xi32, #tpu.memory_space<vmem>> -> memref<40xi32, #tpu.memory_space<vmem>>
      %dma_start3A_31 = arith.constant 0 : i32
      %dma_start3A_32 = arith.constant 0 : i32
      %dma_start3A_33 = tpu.memref_slice %arg4[%dma_start3A_31, %dma_start3A_32] : memref<10000x128xf32, #tpu.memory_space<hbm>> -> memref<10000x128xf32, #tpu.memory_space<hbm>>
      tpu.enqueue_indirect_dma source(%dma_start3A_33 : memref<10000x128xf32, #tpu.memory_space<hbm>>) target(%dma_start3A_28 : memref<40x128xf32, #tpu.memory_space<vmem>>) offsets(%dma_start3A_30 : memref<40xi32, #tpu.memory_space<vmem>>) semaphore(%run_scoped3A_13 : memref<!tpu.dma_semaphore, #tpu.memory_space<semaphore_mem>>)
      %dma_start3A_34 = arith.constant 1 : i32
      %dma_start3A_35 = arith.constant 0 : i32
      %dma_start3A_36 = arith.constant 0 : i32
      %dma_start3A_37 = tpu.memref_slice %run_scoped3A[%dma_start3A_34, %dma_start3A_35, %dma_start3A_36] : memref<6x40x128xf32, #tpu.memory_space<vmem>> -> memref<1x40x128xf32, #tpu.memory_space<vmem>>
      %dma_start3A_38 = tpu.memref_squeeze %dma_start3A_37 : memref<1x40x128xf32, #tpu.memory_space<vmem>> -> memref<40x128xf32, #tpu.memory_space<vmem>>
      %dma_start3A_39 = arith.constant 40 : i32
      %dma_start3A_40 = tpu.memref_slice %arg9[%dma_start3A_39] : memref<10000xi32, #tpu.memory_space<vmem>> -> memref<40xi32, #tpu.memory_space<vmem>>
      %dma_start3A_41 = arith.constant 0 : i32
      %dma_start3A_42 = arith.constant 0 : i32
      %dma_start3A_43 = tpu.memref_slice %arg4[%dma_start3A_41, %dma_start3A_42] : memref<10000x128xf32, #tpu.memory_space<hbm>> -> memref<10000x128xf32, #tpu.memory_space<hbm>>
      tpu.enqueue_indirect_dma source(%dma_start3A_43 : memref<10000x128xf32, #tpu.memory_space<hbm>>) target(%dma_start3A_38 : memref<40x128xf32, #tpu.memory_space<vmem>>) offsets(%dma_start3A_40 : memref<40xi32, #tpu.memory_space<vmem>>) semaphore(%run_scoped3A_14 : memref<!tpu.dma_semaphore, #tpu.memory_space<semaphore_mem>>)
      %dma_start3A_44 = arith.constant 2 : i32
      %dma_start3A_45 = arith.constant 0 : i32
      %dma_start3A_46 = arith.constant 0 : i32
      %dma_start3A_47 = tpu.memref_slice %run_scoped3A[%dma_start3A_44, %dma_start3A_45, %dma_start3A_46] : memref<6x40x128xf32, #tpu.memory_space<vmem>> -> memref<1x40x128xf32, #tpu.memory_space<vmem>>
      %dma_start3A_48 = tpu.memref_squeeze %dma_start3A_47 : memref<1x40x128xf32, #tpu.memory_space<vmem>> -> memref<40x128xf32, #tpu.memory_space<vmem>>
      %dma_start3A_49 = arith.constant 80 : i32
      %dma_start3A_50 = tpu.memref_slice %arg9[%dma_start3A_49] : memref<10000xi32, #tpu.memory_space<vmem>> -> memref<40xi32, #tpu.memory_space<vmem>>
      %dma_start3A_51 = arith.constant 0 : i32
      %dma_start3A_52 = arith.constant 0 : i32
      %dma_start3A_53 = tpu.memref_slice %arg4[%dma_start3A_51, %dma_start3A_52] : memref<10000x128xf32, #tpu.memory_space<hbm>> -> memref<10000x128xf32, #tpu.memory_space<hbm>>
      tpu.enqueue_indirect_dma source(%dma_start3A_53 : memref<10000x128xf32, #tpu.memory_space<hbm>>) target(%dma_start3A_48 : memref<40x128xf32, #tpu.memory_space<vmem>>) offsets(%dma_start3A_50 : memref<40xi32, #tpu.memory_space<vmem>>) semaphore(%run_scoped3A_15 : memref<!tpu.dma_semaphore, #tpu.memory_space<semaphore_mem>>)
      %dma_start3A_54 = arith.constant 3 : i32
      %dma_start3A_55 = arith.constant 0 : i32
      %dma_start3A_56 = arith.constant 0 : i32
      %dma_start3A_57 = tpu.memref_slice %run_scoped3A[%dma_start3A_54, %dma_start3A_55, %dma_start3A_56] : memref<6x40x128xf32, #tpu.memory_space<vmem>> -> memref<1x40x128xf32, #tpu.memory_space<vmem>>
      %dma_start3A_58 = tpu.memref_squeeze %dma_start3A_57 : memref<1x40x128xf32, #tpu.memory_space<vmem>> -> memref<40x128xf32, #tpu.memory_space<vmem>>
      %dma_start3A_59 = arith.constant 120 : i32
      %dma_start3A_60 = tpu.memref_slice %arg9[%dma_start3A_59] : memref<10000xi32, #tpu.memory_space<vmem>> -> memref<40xi32, #tpu.memory_space<vmem>>
      %dma_start3A_61 = arith.constant 0 : i32
      %dma_start3A_62 = arith.constant 0 : i32
      %dma_start3A_63 = tpu.memref_slice %arg4[%dma_start3A_61, %dma_start3A_62] : memref<10000x128xf32, #tpu.memory_space<hbm>> -> memref<10000x128xf32, #tpu.memory_space<hbm>>
      tpu.enqueue_indirect_dma source(%dma_start3A_63 : memref<10000x128xf32, #tpu.memory_space<hbm>>) target(%dma_start3A_58 : memref<40x128xf32, #tpu.memory_space<vmem>>) offsets(%dma_start3A_60 : memref<40xi32, #tpu.memory_space<vmem>>) semaphore(%run_scoped3A_16 : memref<!tpu.dma_semaphore, #tpu.memory_space<semaphore_mem>>)
      %dma_start3A_64 = arith.constant 4 : i32
      %dma_start3A_65 = arith.constant 0 : i32
      %dma_start3A_66 = arith.constant 0 : i32
      %dma_start3A_67 = tpu.memref_slice %run_scoped3A[%dma_start3A_64, %dma_start3A_65, %dma_start3A_66] : memref<6x40x128xf32, #tpu.memory_space<vmem>> -> memref<1x40x128xf32, #tpu.memory_space<vmem>>
      %dma_start3A_68 = tpu.memref_squeeze %dma_start3A_67 : memref<1x40x128xf32, #tpu.memory_space<vmem>> -> memref<40x128xf32, #tpu.memory_space<vmem>>
      %dma_start3A_69 = arith.constant 160 : i32
      %dma_start3A_70 = tpu.memref_slice %arg9[%dma_start3A_69] : memref<10000xi32, #tpu.memory_space<vmem>> -> memref<40xi32, #tpu.memory_space<vmem>>
      %dma_start3A_71 = arith.constant 0 : i32
      %dma_start3A_72 = arith.constant 0 : i32
      %dma_start3A_73 = tpu.memref_slice %arg4[%dma_start3A_71, %dma_start3A_72] : memref<10000x128xf32, #tpu.memory_space<hbm>> -> memref<10000x128xf32, #tpu.memory_space<hbm>>
      tpu.enqueue_indirect_dma source(%dma_start3A_73 : memref<10000x128xf32, #tpu.memory_space<hbm>>) target(%dma_start3A_68 : memref<40x128xf32, #tpu.memory_space<vmem>>) offsets(%dma_start3A_70 : memref<40xi32, #tpu.memory_space<vmem>>) semaphore(%run_scoped3A_17 : memref<!tpu.dma_semaphore, #tpu.memory_space<semaphore_mem>>)
      %dma_start3A_74 = arith.constant 5 : i32
      %dma_start3A_75 = arith.constant 0 : i32
      %dma_start3A_76 = arith.constant 0 : i32
      %dma_start3A_77 = tpu.memref_slice %run_scoped3A[%dma_start3A_74, %dma_start3A_75, %dma_start3A_76] : memref<6x40x128xf32, #tpu.memory_space<vmem>> -> memref<1x40x128xf32, #tpu.memory_space<vmem>>
      %dma_start3A_78 = tpu.memref_squeeze %dma_start3A_77 : memref<1x40x128xf32, #tpu.memory_space<vmem>> -> memref<40x128xf32, #tpu.memory_space<vmem>>
      %dma_start3A_79 = arith.constant 200 : i32
      %dma_start3A_80 = tpu.memref_slice %arg9[%dma_start3A_79] : memref<10000xi32, #tpu.memory_space<vmem>> -> memref<40xi32, #tpu.memory_space<vmem>>
      %dma_start3A_81 = arith.constant 0 : i32
      %dma_start3A_82 = arith.constant 0 : i32
      %dma_start3A_83 = tpu.memref_slice %arg4[%dma_start3A_81, %dma_start3A_82] : memref<10000x128xf32, #tpu.memory_space<hbm>> -> memref<10000x128xf32, #tpu.memory_space<hbm>>
      tpu.enqueue_indirect_dma source(%dma_start3A_83 : memref<10000x128xf32, #tpu.memory_space<hbm>>) target(%dma_start3A_78 : memref<40x128xf32, #tpu.memory_space<vmem>>) offsets(%dma_start3A_80 : memref<40xi32, #tpu.memory_space<vmem>>) semaphore(%run_scoped3A_18 : memref<!tpu.dma_semaphore, #tpu.memory_space<semaphore_mem>>)
      %scan3A = arith.constant 0 : i32
      %scan3A_84 = arith.constant 0 : i32
      %scan3A_85 = arith.constant 41 : i32
      %scan3A_86 = arith.addi %scan3A_84, %scan3A_85 : i32
      %scan3A_87 = arith.constant 1 : i32
      scf.for %scan3A_278 = %scan3A_84 to %scan3A_86 step %scan3A_87  : i32 {
        %mul3A_279 = arith.constant 6 : i32
        %mul3A_280 = arith.muli %scan3A_278, %mul3A_279 : i32
        %add3A_281 = arith.constant 0 : i32
        %add3A_282 = arith.addi %mul3A_280, %add3A_281 : i32
        %dma_wait3A_283 = arith.constant 0 : i32
        %dma_wait3A_284 = arith.constant 0 : i32
        %dma_wait3A_285 = arith.constant 0 : i32
        %dma_wait3A_286 = tpu.memref_slice %run_scoped3A[%dma_wait3A_283, %dma_wait3A_284, %dma_wait3A_285] : memref<6x40x128xf32, #tpu.memory_space<vmem>> -> memref<1x40x128xf32, #tpu.memory_space<vmem>>
        %dma_wait3A_287 = tpu.memref_squeeze %dma_wait3A_286 : memref<1x40x128xf32, #tpu.memory_space<vmem>> -> memref<40x128xf32, #tpu.memory_space<vmem>>
        %dma_wait3A_288 = arith.constant 0 : i32
        %dma_wait3A_289 = arith.constant 0 : i32
        %dma_wait3A_290 = tpu.memref_slice %arg4[%dma_wait3A_288, %dma_wait3A_289] : memref<10000x128xf32, #tpu.memory_space<hbm>> -> memref<40x128xf32, #tpu.memory_space<hbm>>
        %dma_wait3A_291 = arith.constant 0 : i32
        %dma_wait3A_292 = arith.constant 0 : i32
        %dma_wait3A_293 = tpu.memref_slice %run_scoped3A[%dma_wait3A_283, %dma_wait3A_291, %dma_wait3A_292] : memref<6x40x128xf32, #tpu.memory_space<vmem>> -> memref<1x40x128xf32, #tpu.memory_space<vmem>>
        %dma_wait3A_294 = tpu.memref_squeeze %dma_wait3A_293 : memref<1x40x128xf32, #tpu.memory_space<vmem>> -> memref<40x128xf32, #tpu.memory_space<vmem>>
        %dma_wait3A_295 = arith.constant 0 : i32
        %dma_wait3A_296 = arith.constant 0 : i32
        %dma_wait3A_297 = tpu.memref_slice %arg4[%dma_wait3A_295, %dma_wait3A_296] : memref<10000x128xf32, #tpu.memory_space<hbm>> -> memref<40x128xf32, #tpu.memory_space<hbm>>
        tpu.wait_dma2 semaphore(%run_scoped3A_13 : memref<!tpu.dma_semaphore, #tpu.memory_space<semaphore_mem>>) src(%dma_wait3A_297 : memref<40x128xf32, #tpu.memory_space<hbm>>) dst(%dma_wait3A_294 : memref<40x128xf32, #tpu.memory_space<vmem>>)
        %mul3A_298 = arith.constant 40 : i32
        %mul3A_299 = arith.muli %add3A_282, %mul3A_298 : i32
        %dma_start3A_300 = arith.constant 0 : i32
        %dma_start3A_301 = arith.constant 0 : i32
        %dma_start3A_302 = arith.constant 0 : i32
        %dma_start3A_303 = tpu.memref_slice %run_scoped3A[%dma_start3A_300, %dma_start3A_301, %dma_start3A_302] : memref<6x40x128xf32, #tpu.memory_space<vmem>> -> memref<1x40x128xf32, #tpu.memory_space<vmem>>
        %dma_start3A_304 = tpu.memref_squeeze %dma_start3A_303 : memref<1x40x128xf32, #tpu.memory_space<vmem>> -> memref<40x128xf32, #tpu.memory_space<vmem>>
        %dma_start3A_305 = tpu.memref_slice %arg10[%mul3A_299] : memref<10000xi32, #tpu.memory_space<vmem>> -> memref<40xi32, #tpu.memory_space<vmem>>
        %dma_start3A_306 = arith.constant 0 : i32
        %dma_start3A_307 = arith.constant 0 : i32
        %dma_start3A_308 = tpu.memref_slice %arg11[%dma_start3A_306, %dma_start3A_307] : memref<10000x128xf32, #tpu.memory_space<vmem_shared>> -> memref<10000x128xf32, #tpu.memory_space<vmem_shared>>
        tpu.enqueue_indirect_dma source(%dma_start3A_304 : memref<40x128xf32, #tpu.memory_space<vmem>>) target(%dma_start3A_308 : memref<10000x128xf32, #tpu.memory_space<vmem_shared>>) offsets(%dma_start3A_305 : memref<40xi32, #tpu.memory_space<vmem>>) semaphore(%run_scoped3A_19 : memref<!tpu.dma_semaphore, #tpu.memory_space<semaphore_mem>>) {add = true}
        %add3A_309 = arith.constant 6 : i32
        %add3A_310 = arith.addi %add3A_282, %add3A_309 : i32
        %lt3A = arith.constant 250 : i32
        %lt3A_311 = arith.cmpi slt, %add3A_310, %lt3A : i32
        %convert_element_type3A_312 = arith.extui %lt3A_311 : i1 to i32
        %cond3A_313 = arith.constant 0 : i32
        %cond3A_314 = arith.cmpi ne, %convert_element_type3A_312, %cond3A_313 : i32
        scf.if %cond3A_314 {
          %dma_wait3A_500 = arith.constant 0 : i32
          %dma_wait3A_501 = arith.constant 0 : i32
          %dma_wait3A_502 = arith.constant 0 : i32
          %dma_wait3A_503 = tpu.memref_slice %run_scoped3A[%dma_wait3A_500, %dma_wait3A_501, %dma_wait3A_502] : memref<6x40x128xf32, #tpu.memory_space<vmem>> -> memref<1x40x128xf32, #tpu.memory_space<vmem>>
          %dma_wait3A_504 = tpu.memref_squeeze %dma_wait3A_503 : memref<1x40x128xf32, #tpu.memory_space<vmem>> -> memref<40x128xf32, #tpu.memory_space<vmem>>
          %dma_wait3A_505 = arith.constant 0 : i32
          %dma_wait3A_506 = arith.constant 0 : i32
          %dma_wait3A_507 = tpu.memref_slice %arg11[%dma_wait3A_505, %dma_wait3A_506] : memref<10000x128xf32, #tpu.memory_space<vmem_shared>> -> memref<40x128xf32, #tpu.memory_space<vmem_shared>>
          %dma_wait3A_508 = arith.constant 0 : i32
          %dma_wait3A_509 = arith.constant 0 : i32
          %dma_wait3A_510 = tpu.memref_slice %arg11[%dma_wait3A_508, %dma_wait3A_509] : memref<10000x128xf32, #tpu.memory_space<vmem_shared>> -> memref<40x128xf32, #tpu.memory_space<vmem_shared>>
          %dma_wait3A_511 = arith.constant 0 : i32
          %dma_wait3A_512 = arith.constant 0 : i32
          %dma_wait3A_513 = tpu.memref_slice %run_scoped3A[%dma_wait3A_500, %dma_wait3A_511, %dma_wait3A_512] : memref<6x40x128xf32, #tpu.memory_space<vmem>> -> memref<1x40x128xf32, #tpu.memory_space<vmem>>
          %dma_wait3A_514 = tpu.memref_squeeze %dma_wait3A_513 : memref<1x40x128xf32, #tpu.memory_space<vmem>> -> memref<40x128xf32, #tpu.memory_space<vmem>>
          tpu.wait_dma2 semaphore(%run_scoped3A_19 : memref<!tpu.dma_semaphore, #tpu.memory_space<semaphore_mem>>) src(%dma_wait3A_514 : memref<40x128xf32, #tpu.memory_space<vmem>>) dst(%dma_wait3A_510 : memref<40x128xf32, #tpu.memory_space<vmem_shared>>)
          %mul3A_515 = arith.constant 40 : i32
          %mul3A_516 = arith.muli %add3A_310, %mul3A_515 : i32
          %dma_start3A_517 = arith.constant 0 : i32
          %dma_start3A_518 = arith.constant 0 : i32
          %dma_start3A_519 = arith.constant 0 : i32
          %dma_start3A_520 = tpu.memref_slice %run_scoped3A[%dma_start3A_517, %dma_start3A_518, %dma_start3A_519] : memref<6x40x128xf32, #tpu.memory_space<vmem>> -> memref<1x40x128xf32, #tpu.memory_space<vmem>>
          %dma_start3A_521 = tpu.memref_squeeze %dma_start3A_520 : memref<1x40x128xf32, #tpu.memory_space<vmem>> -> memref<40x128xf32, #tpu.memory_space<vmem>>
          %dma_start3A_522 = tpu.memref_slice %arg9[%mul3A_516] : memref<10000xi32, #tpu.memory_space<vmem>> -> memref<40xi32, #tpu.memory_space<vmem>>
          %dma_start3A_523 = arith.constant 0 : i32
          %dma_start3A_524 = arith.constant 0 : i32
          %dma_start3A_525 = tpu.memref_slice %arg4[%dma_start3A_523, %dma_start3A_524] : memref<10000x128xf32, #tpu.memory_space<hbm>> -> memref<10000x128xf32, #tpu.memory_space<hbm>>
          tpu.enqueue_indirect_dma source(%dma_start3A_525 : memref<10000x128xf32, #tpu.memory_space<hbm>>) target(%dma_start3A_521 : memref<40x128xf32, #tpu.memory_space<vmem>>) offsets(%dma_start3A_522 : memref<40xi32, #tpu.memory_space<vmem>>) semaphore(%run_scoped3A_13 : memref<!tpu.dma_semaphore, #tpu.memory_space<semaphore_mem>>)
        } else {
        }
        %mul3A_315 = arith.constant 6 : i32
        %mul3A_316 = arith.muli %scan3A_278, %mul3A_315 : i32
        %add3A_317 = arith.constant 1 : i32
        %add3A_318 = arith.addi %mul3A_316, %add3A_317 : i32
        %dma_wait3A_319 = arith.constant 1 : i32
        %dma_wait3A_320 = arith.constant 0 : i32
        %dma_wait3A_321 = arith.constant 0 : i32
        %dma_wait3A_322 = tpu.memref_slice %run_scoped3A[%dma_wait3A_319, %dma_wait3A_320, %dma_wait3A_321] : memref<6x40x128xf32, #tpu.memory_space<vmem>> -> memref<1x40x128xf32, #tpu.memory_space<vmem>>
        %dma_wait3A_323 = tpu.memref_squeeze %dma_wait3A_322 : memref<1x40x128xf32, #tpu.memory_space<vmem>> -> memref<40x128xf32, #tpu.memory_space<vmem>>
        %dma_wait3A_324 = arith.constant 0 : i32
        %dma_wait3A_325 = arith.constant 0 : i32
        %dma_wait3A_326 = tpu.memref_slice %arg4[%dma_wait3A_324, %dma_wait3A_325] : memref<10000x128xf32, #tpu.memory_space<hbm>> -> memref<40x128xf32, #tpu.memory_space<hbm>>
        %dma_wait3A_327 = arith.constant 0 : i32
        %dma_wait3A_328 = arith.constant 0 : i32
        %dma_wait3A_329 = tpu.memref_slice %run_scoped3A[%dma_wait3A_319, %dma_wait3A_327, %dma_wait3A_328] : memref<6x40x128xf32, #tpu.memory_space<vmem>> -> memref<1x40x128xf32, #tpu.memory_space<vmem>>
        %dma_wait3A_330 = tpu.memref_squeeze %dma_wait3A_329 : memref<1x40x128xf32, #tpu.memory_space<vmem>> -> memref<40x128xf32, #tpu.memory_space<vmem>>
        %dma_wait3A_331 = arith.constant 0 : i32
        %dma_wait3A_332 = arith.constant 0 : i32
        %dma_wait3A_333 = tpu.memref_slice %arg4[%dma_wait3A_331, %dma_wait3A_332] : memref<10000x128xf32, #tpu.memory_space<hbm>> -> memref<40x128xf32, #tpu.memory_space<hbm>>
        tpu.wait_dma2 semaphore(%run_scoped3A_14 : memref<!tpu.dma_semaphore, #tpu.memory_space<semaphore_mem>>) src(%dma_wait3A_333 : memref<40x128xf32, #tpu.memory_space<hbm>>) dst(%dma_wait3A_330 : memref<40x128xf32, #tpu.memory_space<vmem>>)
        %mul3A_334 = arith.constant 40 : i32
        %mul3A_335 = arith.muli %add3A_318, %mul3A_334 : i32
        %dma_start3A_336 = arith.constant 1 : i32
        %dma_start3A_337 = arith.constant 0 : i32
        %dma_start3A_338 = arith.constant 0 : i32
        %dma_start3A_339 = tpu.memref_slice %run_scoped3A[%dma_start3A_336, %dma_start3A_337, %dma_start3A_338] : memref<6x40x128xf32, #tpu.memory_space<vmem>> -> memref<1x40x128xf32, #tpu.memory_space<vmem>>
        %dma_start3A_340 = tpu.memref_squeeze %dma_start3A_339 : memref<1x40x128xf32, #tpu.memory_space<vmem>> -> memref<40x128xf32, #tpu.memory_space<vmem>>
        %dma_start3A_341 = tpu.memref_slice %arg10[%mul3A_335] : memref<10000xi32, #tpu.memory_space<vmem>> -> memref<40xi32, #tpu.memory_space<vmem>>
        %dma_start3A_342 = arith.constant 0 : i32
        %dma_start3A_343 = arith.constant 0 : i32
        %dma_start3A_344 = tpu.memref_slice %arg11[%dma_start3A_342, %dma_start3A_343] : memref<10000x128xf32, #tpu.memory_space<vmem_shared>> -> memref<10000x128xf32, #tpu.memory_space<vmem_shared>>
        tpu.enqueue_indirect_dma source(%dma_start3A_340 : memref<40x128xf32, #tpu.memory_space<vmem>>) target(%dma_start3A_344 : memref<10000x128xf32, #tpu.memory_space<vmem_shared>>) offsets(%dma_start3A_341 : memref<40xi32, #tpu.memory_space<vmem>>) semaphore(%run_scoped3A_20 : memref<!tpu.dma_semaphore, #tpu.memory_space<semaphore_mem>>) {add = true}
        %add3A_345 = arith.constant 6 : i32
        %add3A_346 = arith.addi %add3A_318, %add3A_345 : i32
        %lt3A_347 = arith.constant 250 : i32
        %lt3A_348 = arith.cmpi slt, %add3A_346, %lt3A_347 : i32
        %convert_element_type3A_349 = arith.extui %lt3A_348 : i1 to i32
        %cond3A_350 = arith.constant 0 : i32
        %cond3A_351 = arith.cmpi ne, %convert_element_type3A_349, %cond3A_350 : i32
        scf.if %cond3A_351 {
          %dma_wait3A_500 = arith.constant 1 : i32
          %dma_wait3A_501 = arith.constant 0 : i32
          %dma_wait3A_502 = arith.constant 0 : i32
          %dma_wait3A_503 = tpu.memref_slice %run_scoped3A[%dma_wait3A_500, %dma_wait3A_501, %dma_wait3A_502] : memref<6x40x128xf32, #tpu.memory_space<vmem>> -> memref<1x40x128xf32, #tpu.memory_space<vmem>>
          %dma_wait3A_504 = tpu.memref_squeeze %dma_wait3A_503 : memref<1x40x128xf32, #tpu.memory_space<vmem>> -> memref<40x128xf32, #tpu.memory_space<vmem>>
          %dma_wait3A_505 = arith.constant 0 : i32
          %dma_wait3A_506 = arith.constant 0 : i32
          %dma_wait3A_507 = tpu.memref_slice %arg11[%dma_wait3A_505, %dma_wait3A_506] : memref<10000x128xf32, #tpu.memory_space<vmem_shared>> -> memref<40x128xf32, #tpu.memory_space<vmem_shared>>
          %dma_wait3A_508 = arith.constant 0 : i32
          %dma_wait3A_509 = arith.constant 0 : i32
          %dma_wait3A_510 = tpu.memref_slice %arg11[%dma_wait3A_508, %dma_wait3A_509] : memref<10000x128xf32, #tpu.memory_space<vmem_shared>> -> memref<40x128xf32, #tpu.memory_space<vmem_shared>>
          %dma_wait3A_511 = arith.constant 0 : i32
          %dma_wait3A_512 = arith.constant 0 : i32
          %dma_wait3A_513 = tpu.memref_slice %run_scoped3A[%dma_wait3A_500, %dma_wait3A_511, %dma_wait3A_512] : memref<6x40x128xf32, #tpu.memory_space<vmem>> -> memref<1x40x128xf32, #tpu.memory_space<vmem>>
          %dma_wait3A_514 = tpu.memref_squeeze %dma_wait3A_513 : memref<1x40x128xf32, #tpu.memory_space<vmem>> -> memref<40x128xf32, #tpu.memory_space<vmem>>
          tpu.wait_dma2 semaphore(%run_scoped3A_20 : memref<!tpu.dma_semaphore, #tpu.memory_space<semaphore_mem>>) src(%dma_wait3A_514 : memref<40x128xf32, #tpu.memory_space<vmem>>) dst(%dma_wait3A_510 : memref<40x128xf32, #tpu.memory_space<vmem_shared>>)
          %mul3A_515 = arith.constant 40 : i32
          %mul3A_516 = arith.muli %add3A_346, %mul3A_515 : i32
          %dma_start3A_517 = arith.constant 1 : i32
          %dma_start3A_518 = arith.constant 0 : i32
          %dma_start3A_519 = arith.constant 0 : i32
          %dma_start3A_520 = tpu.memref_slice %run_scoped3A[%dma_start3A_517, %dma_start3A_518, %dma_start3A_519] : memref<6x40x128xf32, #tpu.memory_space<vmem>> -> memref<1x40x128xf32, #tpu.memory_space<vmem>>
          %dma_start3A_521 = tpu.memref_squeeze %dma_start3A_520 : memref<1x40x128xf32, #tpu.memory_space<vmem>> -> memref<40x128xf32, #tpu.memory_space<vmem>>
          %dma_start3A_522 = tpu.memref_slice %arg9[%mul3A_516] : memref<10000xi32, #tpu.memory_space<vmem>> -> memref<40xi32, #tpu.memory_space<vmem>>
          %dma_start3A_523 = arith.constant 0 : i32
          %dma_start3A_524 = arith.constant 0 : i32
          %dma_start3A_525 = tpu.memref_slice %arg4[%dma_start3A_523, %dma_start3A_524] : memref<10000x128xf32, #tpu.memory_space<hbm>> -> memref<10000x128xf32, #tpu.memory_space<hbm>>
          tpu.enqueue_indirect_dma source(%dma_start3A_525 : memref<10000x128xf32, #tpu.memory_space<hbm>>) target(%dma_start3A_521 : memref<40x128xf32, #tpu.memory_space<vmem>>) offsets(%dma_start3A_522 : memref<40xi32, #tpu.memory_space<vmem>>) semaphore(%run_scoped3A_14 : memref<!tpu.dma_semaphore, #tpu.memory_space<semaphore_mem>>)
        } else {
        }
        %mul3A_352 = arith.constant 6 : i32
        %mul3A_353 = arith.muli %scan3A_278, %mul3A_352 : i32
        %add3A_354 = arith.constant 2 : i32
        %add3A_355 = arith.addi %mul3A_353, %add3A_354 : i32
        %dma_wait3A_356 = arith.constant 2 : i32
        %dma_wait3A_357 = arith.constant 0 : i32
        %dma_wait3A_358 = arith.constant 0 : i32
        %dma_wait3A_359 = tpu.memref_slice %run_scoped3A[%dma_wait3A_356, %dma_wait3A_357, %dma_wait3A_358] : memref<6x40x128xf32, #tpu.memory_space<vmem>> -> memref<1x40x128xf32, #tpu.memory_space<vmem>>
        %dma_wait3A_360 = tpu.memref_squeeze %dma_wait3A_359 : memref<1x40x128xf32, #tpu.memory_space<vmem>> -> memref<40x128xf32, #tpu.memory_space<vmem>>
        %dma_wait3A_361 = arith.constant 0 : i32
        %dma_wait3A_362 = arith.constant 0 : i32
        %dma_wait3A_363 = tpu.memref_slice %arg4[%dma_wait3A_361, %dma_wait3A_362] : memref<10000x128xf32, #tpu.memory_space<hbm>> -> memref<40x128xf32, #tpu.memory_space<hbm>>
        %dma_wait3A_364 = arith.constant 0 : i32
        %dma_wait3A_365 = arith.constant 0 : i32
        %dma_wait3A_366 = tpu.memref_slice %run_scoped3A[%dma_wait3A_356, %dma_wait3A_364, %dma_wait3A_365] : memref<6x40x128xf32, #tpu.memory_space<vmem>> -> memref<1x40x128xf32, #tpu.memory_space<vmem>>
        %dma_wait3A_367 = tpu.memref_squeeze %dma_wait3A_366 : memref<1x40x128xf32, #tpu.memory_space<vmem>> -> memref<40x128xf32, #tpu.memory_space<vmem>>
        %dma_wait3A_368 = arith.constant 0 : i32
        %dma_wait3A_369 = arith.constant 0 : i32
        %dma_wait3A_370 = tpu.memref_slice %arg4[%dma_wait3A_368, %dma_wait3A_369] : memref<10000x128xf32, #tpu.memory_space<hbm>> -> memref<40x128xf32, #tpu.memory_space<hbm>>
        tpu.wait_dma2 semaphore(%run_scoped3A_15 : memref<!tpu.dma_semaphore, #tpu.memory_space<semaphore_mem>>) src(%dma_wait3A_370 : memref<40x128xf32, #tpu.memory_space<hbm>>) dst(%dma_wait3A_367 : memref<40x128xf32, #tpu.memory_space<vmem>>)
        %mul3A_371 = arith.constant 40 : i32
        %mul3A_372 = arith.muli %add3A_355, %mul3A_371 : i32
        %dma_start3A_373 = arith.constant 2 : i32
        %dma_start3A_374 = arith.constant 0 : i32
        %dma_start3A_375 = arith.constant 0 : i32
        %dma_start3A_376 = tpu.memref_slice %run_scoped3A[%dma_start3A_373, %dma_start3A_374, %dma_start3A_375] : memref<6x40x128xf32, #tpu.memory_space<vmem>> -> memref<1x40x128xf32, #tpu.memory_space<vmem>>
        %dma_start3A_377 = tpu.memref_squeeze %dma_start3A_376 : memref<1x40x128xf32, #tpu.memory_space<vmem>> -> memref<40x128xf32, #tpu.memory_space<vmem>>
        %dma_start3A_378 = tpu.memref_slice %arg10[%mul3A_372] : memref<10000xi32, #tpu.memory_space<vmem>> -> memref<40xi32, #tpu.memory_space<vmem>>
        %dma_start3A_379 = arith.constant 0 : i32
        %dma_start3A_380 = arith.constant 0 : i32
        %dma_start3A_381 = tpu.memref_slice %arg11[%dma_start3A_379, %dma_start3A_380] : memref<10000x128xf32, #tpu.memory_space<vmem_shared>> -> memref<10000x128xf32, #tpu.memory_space<vmem_shared>>
        tpu.enqueue_indirect_dma source(%dma_start3A_377 : memref<40x128xf32, #tpu.memory_space<vmem>>) target(%dma_start3A_381 : memref<10000x128xf32, #tpu.memory_space<vmem_shared>>) offsets(%dma_start3A_378 : memref<40xi32, #tpu.memory_space<vmem>>) semaphore(%run_scoped3A_21 : memref<!tpu.dma_semaphore, #tpu.memory_space<semaphore_mem>>) {add = true}
        %add3A_382 = arith.constant 6 : i32
        %add3A_383 = arith.addi %add3A_355, %add3A_382 : i32
        %lt3A_384 = arith.constant 250 : i32
        %lt3A_385 = arith.cmpi slt, %add3A_383, %lt3A_384 : i32
        %convert_element_type3A_386 = arith.extui %lt3A_385 : i1 to i32
        %cond3A_387 = arith.constant 0 : i32
        %cond3A_388 = arith.cmpi ne, %convert_element_type3A_386, %cond3A_387 : i32
        scf.if %cond3A_388 {
          %dma_wait3A_500 = arith.constant 2 : i32
          %dma_wait3A_501 = arith.constant 0 : i32
          %dma_wait3A_502 = arith.constant 0 : i32
          %dma_wait3A_503 = tpu.memref_slice %run_scoped3A[%dma_wait3A_500, %dma_wait3A_501, %dma_wait3A_502] : memref<6x40x128xf32, #tpu.memory_space<vmem>> -> memref<1x40x128xf32, #tpu.memory_space<vmem>>
          %dma_wait3A_504 = tpu.memref_squeeze %dma_wait3A_503 : memref<1x40x128xf32, #tpu.memory_space<vmem>> -> memref<40x128xf32, #tpu.memory_space<vmem>>
          %dma_wait3A_505 = arith.constant 0 : i32
          %dma_wait3A_506 = arith.constant 0 : i32
          %dma_wait3A_507 = tpu.memref_slice %arg11[%dma_wait3A_505, %dma_wait3A_506] : memref<10000x128xf32, #tpu.memory_space<vmem_shared>> -> memref<40x128xf32, #tpu.memory_space<vmem_shared>>
          %dma_wait3A_508 = arith.constant 0 : i32
          %dma_wait3A_509 = arith.constant 0 : i32
          %dma_wait3A_510 = tpu.memref_slice %arg11[%dma_wait3A_508, %dma_wait3A_509] : memref<10000x128xf32, #tpu.memory_space<vmem_shared>> -> memref<40x128xf32, #tpu.memory_space<vmem_shared>>
          %dma_wait3A_511 = arith.constant 0 : i32
          %dma_wait3A_512 = arith.constant 0 : i32
          %dma_wait3A_513 = tpu.memref_slice %run_scoped3A[%dma_wait3A_500, %dma_wait3A_511, %dma_wait3A_512] : memref<6x40x128xf32, #tpu.memory_space<vmem>> -> memref<1x40x128xf32, #tpu.memory_space<vmem>>
          %dma_wait3A_514 = tpu.memref_squeeze %dma_wait3A_513 : memref<1x40x128xf32, #tpu.memory_space<vmem>> -> memref<40x128xf32, #tpu.memory_space<vmem>>
          tpu.wait_dma2 semaphore(%run_scoped3A_21 : memref<!tpu.dma_semaphore, #tpu.memory_space<semaphore_mem>>) src(%dma_wait3A_514 : memref<40x128xf32, #tpu.memory_space<vmem>>) dst(%dma_wait3A_510 : memref<40x128xf32, #tpu.memory_space<vmem_shared>>)
          %mul3A_515 = arith.constant 40 : i32
          %mul3A_516 = arith.muli %add3A_383, %mul3A_515 : i32
          %dma_start3A_517 = arith.constant 2 : i32
          %dma_start3A_518 = arith.constant 0 : i32
          %dma_start3A_519 = arith.constant 0 : i32
          %dma_start3A_520 = tpu.memref_slice %run_scoped3A[%dma_start3A_517, %dma_start3A_518, %dma_start3A_519] : memref<6x40x128xf32, #tpu.memory_space<vmem>> -> memref<1x40x128xf32, #tpu.memory_space<vmem>>
          %dma_start3A_521 = tpu.memref_squeeze %dma_start3A_520 : memref<1x40x128xf32, #tpu.memory_space<vmem>> -> memref<40x128xf32, #tpu.memory_space<vmem>>
          %dma_start3A_522 = tpu.memref_slice %arg9[%mul3A_516] : memref<10000xi32, #tpu.memory_space<vmem>> -> memref<40xi32, #tpu.memory_space<vmem>>
          %dma_start3A_523 = arith.constant 0 : i32
          %dma_start3A_524 = arith.constant 0 : i32
          %dma_start3A_525 = tpu.memref_slice %arg4[%dma_start3A_523, %dma_start3A_524] : memref<10000x128xf32, #tpu.memory_space<hbm>> -> memref<10000x128xf32, #tpu.memory_space<hbm>>
          tpu.enqueue_indirect_dma source(%dma_start3A_525 : memref<10000x128xf32, #tpu.memory_space<hbm>>) target(%dma_start3A_521 : memref<40x128xf32, #tpu.memory_space<vmem>>) offsets(%dma_start3A_522 : memref<40xi32, #tpu.memory_space<vmem>>) semaphore(%run_scoped3A_15 : memref<!tpu.dma_semaphore, #tpu.memory_space<semaphore_mem>>)
        } else {
        }
        %mul3A_389 = arith.constant 6 : i32
        %mul3A_390 = arith.muli %scan3A_278, %mul3A_389 : i32
        %add3A_391 = arith.constant 3 : i32
        %add3A_392 = arith.addi %mul3A_390, %add3A_391 : i32
        %dma_wait3A_393 = arith.constant 3 : i32
        %dma_wait3A_394 = arith.constant 0 : i32
        %dma_wait3A_395 = arith.constant 0 : i32
        %dma_wait3A_396 = tpu.memref_slice %run_scoped3A[%dma_wait3A_393, %dma_wait3A_394, %dma_wait3A_395] : memref<6x40x128xf32, #tpu.memory_space<vmem>> -> memref<1x40x128xf32, #tpu.memory_space<vmem>>
        %dma_wait3A_397 = tpu.memref_squeeze %dma_wait3A_396 : memref<1x40x128xf32, #tpu.memory_space<vmem>> -> memref<40x128xf32, #tpu.memory_space<vmem>>
        %dma_wait3A_398 = arith.constant 0 : i32
        %dma_wait3A_399 = arith.constant 0 : i32
        %dma_wait3A_400 = tpu.memref_slice %arg4[%dma_wait3A_398, %dma_wait3A_399] : memref<10000x128xf32, #tpu.memory_space<hbm>> -> memref<40x128xf32, #tpu.memory_space<hbm>>
        %dma_wait3A_401 = arith.constant 0 : i32
        %dma_wait3A_402 = arith.constant 0 : i32
        %dma_wait3A_403 = tpu.memref_slice %run_scoped3A[%dma_wait3A_393, %dma_wait3A_401, %dma_wait3A_402] : memref<6x40x128xf32, #tpu.memory_space<vmem>> -> memref<1x40x128xf32, #tpu.memory_space<vmem>>
        %dma_wait3A_404 = tpu.memref_squeeze %dma_wait3A_403 : memref<1x40x128xf32, #tpu.memory_space<vmem>> -> memref<40x128xf32, #tpu.memory_space<vmem>>
        %dma_wait3A_405 = arith.constant 0 : i32
        %dma_wait3A_406 = arith.constant 0 : i32
        %dma_wait3A_407 = tpu.memref_slice %arg4[%dma_wait3A_405, %dma_wait3A_406] : memref<10000x128xf32, #tpu.memory_space<hbm>> -> memref<40x128xf32, #tpu.memory_space<hbm>>
        tpu.wait_dma2 semaphore(%run_scoped3A_16 : memref<!tpu.dma_semaphore, #tpu.memory_space<semaphore_mem>>) src(%dma_wait3A_407 : memref<40x128xf32, #tpu.memory_space<hbm>>) dst(%dma_wait3A_404 : memref<40x128xf32, #tpu.memory_space<vmem>>)
        %mul3A_408 = arith.constant 40 : i32
        %mul3A_409 = arith.muli %add3A_392, %mul3A_408 : i32
        %dma_start3A_410 = arith.constant 3 : i32
        %dma_start3A_411 = arith.constant 0 : i32
        %dma_start3A_412 = arith.constant 0 : i32
        %dma_start3A_413 = tpu.memref_slice %run_scoped3A[%dma_start3A_410, %dma_start3A_411, %dma_start3A_412] : memref<6x40x128xf32, #tpu.memory_space<vmem>> -> memref<1x40x128xf32, #tpu.memory_space<vmem>>
        %dma_start3A_414 = tpu.memref_squeeze %dma_start3A_413 : memref<1x40x128xf32, #tpu.memory_space<vmem>> -> memref<40x128xf32, #tpu.memory_space<vmem>>
        %dma_start3A_415 = tpu.memref_slice %arg10[%mul3A_409] : memref<10000xi32, #tpu.memory_space<vmem>> -> memref<40xi32, #tpu.memory_space<vmem>>
        %dma_start3A_416 = arith.constant 0 : i32
        %dma_start3A_417 = arith.constant 0 : i32
        %dma_start3A_418 = tpu.memref_slice %arg11[%dma_start3A_416, %dma_start3A_417] : memref<10000x128xf32, #tpu.memory_space<vmem_shared>> -> memref<10000x128xf32, #tpu.memory_space<vmem_shared>>
        tpu.enqueue_indirect_dma source(%dma_start3A_414 : memref<40x128xf32, #tpu.memory_space<vmem>>) target(%dma_start3A_418 : memref<10000x128xf32, #tpu.memory_space<vmem_shared>>) offsets(%dma_start3A_415 : memref<40xi32, #tpu.memory_space<vmem>>) semaphore(%run_scoped3A_22 : memref<!tpu.dma_semaphore, #tpu.memory_space<semaphore_mem>>) {add = true}
        %add3A_419 = arith.constant 6 : i32
        %add3A_420 = arith.addi %add3A_392, %add3A_419 : i32
        %lt3A_421 = arith.constant 250 : i32
        %lt3A_422 = arith.cmpi slt, %add3A_420, %lt3A_421 : i32
        %convert_element_type3A_423 = arith.extui %lt3A_422 : i1 to i32
        %cond3A_424 = arith.constant 0 : i32
        %cond3A_425 = arith.cmpi ne, %convert_element_type3A_423, %cond3A_424 : i32
        scf.if %cond3A_425 {
          %dma_wait3A_500 = arith.constant 3 : i32
          %dma_wait3A_501 = arith.constant 0 : i32
          %dma_wait3A_502 = arith.constant 0 : i32
          %dma_wait3A_503 = tpu.memref_slice %run_scoped3A[%dma_wait3A_500, %dma_wait3A_501, %dma_wait3A_502] : memref<6x40x128xf32, #tpu.memory_space<vmem>> -> memref<1x40x128xf32, #tpu.memory_space<vmem>>
          %dma_wait3A_504 = tpu.memref_squeeze %dma_wait3A_503 : memref<1x40x128xf32, #tpu.memory_space<vmem>> -> memref<40x128xf32, #tpu.memory_space<vmem>>
          %dma_wait3A_505 = arith.constant 0 : i32
          %dma_wait3A_506 = arith.constant 0 : i32
          %dma_wait3A_507 = tpu.memref_slice %arg11[%dma_wait3A_505, %dma_wait3A_506] : memref<10000x128xf32, #tpu.memory_space<vmem_shared>> -> memref<40x128xf32, #tpu.memory_space<vmem_shared>>
          %dma_wait3A_508 = arith.constant 0 : i32
          %dma_wait3A_509 = arith.constant 0 : i32
          %dma_wait3A_510 = tpu.memref_slice %arg11[%dma_wait3A_508, %dma_wait3A_509] : memref<10000x128xf32, #tpu.memory_space<vmem_shared>> -> memref<40x128xf32, #tpu.memory_space<vmem_shared>>
          %dma_wait3A_511 = arith.constant 0 : i32
          %dma_wait3A_512 = arith.constant 0 : i32
          %dma_wait3A_513 = tpu.memref_slice %run_scoped3A[%dma_wait3A_500, %dma_wait3A_511, %dma_wait3A_512] : memref<6x40x128xf32, #tpu.memory_space<vmem>> -> memref<1x40x128xf32, #tpu.memory_space<vmem>>
          %dma_wait3A_514 = tpu.memref_squeeze %dma_wait3A_513 : memref<1x40x128xf32, #tpu.memory_space<vmem>> -> memref<40x128xf32, #tpu.memory_space<vmem>>
          tpu.wait_dma2 semaphore(%run_scoped3A_22 : memref<!tpu.dma_semaphore, #tpu.memory_space<semaphore_mem>>) src(%dma_wait3A_514 : memref<40x128xf32, #tpu.memory_space<vmem>>) dst(%dma_wait3A_510 : memref<40x128xf32, #tpu.memory_space<vmem_shared>>)
          %mul3A_515 = arith.constant 40 : i32
          %mul3A_516 = arith.muli %add3A_420, %mul3A_515 : i32
          %dma_start3A_517 = arith.constant 3 : i32
          %dma_start3A_518 = arith.constant 0 : i32
          %dma_start3A_519 = arith.constant 0 : i32
          %dma_start3A_520 = tpu.memref_slice %run_scoped3A[%dma_start3A_517, %dma_start3A_518, %dma_start3A_519] : memref<6x40x128xf32, #tpu.memory_space<vmem>> -> memref<1x40x128xf32, #tpu.memory_space<vmem>>
          %dma_start3A_521 = tpu.memref_squeeze %dma_start3A_520 : memref<1x40x128xf32, #tpu.memory_space<vmem>> -> memref<40x128xf32, #tpu.memory_space<vmem>>
          %dma_start3A_522 = tpu.memref_slice %arg9[%mul3A_516] : memref<10000xi32, #tpu.memory_space<vmem>> -> memref<40xi32, #tpu.memory_space<vmem>>
          %dma_start3A_523 = arith.constant 0 : i32
          %dma_start3A_524 = arith.constant 0 : i32
          %dma_start3A_525 = tpu.memref_slice %arg4[%dma_start3A_523, %dma_start3A_524] : memref<10000x128xf32, #tpu.memory_space<hbm>> -> memref<10000x128xf32, #tpu.memory_space<hbm>>
          tpu.enqueue_indirect_dma source(%dma_start3A_525 : memref<10000x128xf32, #tpu.memory_space<hbm>>) target(%dma_start3A_521 : memref<40x128xf32, #tpu.memory_space<vmem>>) offsets(%dma_start3A_522 : memref<40xi32, #tpu.memory_space<vmem>>) semaphore(%run_scoped3A_16 : memref<!tpu.dma_semaphore, #tpu.memory_space<semaphore_mem>>)
        } else {
        }
        %mul3A_426 = arith.constant 6 : i32
        %mul3A_427 = arith.muli %scan3A_278, %mul3A_426 : i32
        %add3A_428 = arith.constant 4 : i32
        %add3A_429 = arith.addi %mul3A_427, %add3A_428 : i32
        %dma_wait3A_430 = arith.constant 4 : i32
        %dma_wait3A_431 = arith.constant 0 : i32
        %dma_wait3A_432 = arith.constant 0 : i32
        %dma_wait3A_433 = tpu.memref_slice %run_scoped3A[%dma_wait3A_430, %dma_wait3A_431, %dma_wait3A_432] : memref<6x40x128xf32, #tpu.memory_space<vmem>> -> memref<1x40x128xf32, #tpu.memory_space<vmem>>
        %dma_wait3A_434 = tpu.memref_squeeze %dma_wait3A_433 : memref<1x40x128xf32, #tpu.memory_space<vmem>> -> memref<40x128xf32, #tpu.memory_space<vmem>>
        %dma_wait3A_435 = arith.constant 0 : i32
        %dma_wait3A_436 = arith.constant 0 : i32
        %dma_wait3A_437 = tpu.memref_slice %arg4[%dma_wait3A_435, %dma_wait3A_436] : memref<10000x128xf32, #tpu.memory_space<hbm>> -> memref<40x128xf32, #tpu.memory_space<hbm>>
        %dma_wait3A_438 = arith.constant 0 : i32
        %dma_wait3A_439 = arith.constant 0 : i32
        %dma_wait3A_440 = tpu.memref_slice %run_scoped3A[%dma_wait3A_430, %dma_wait3A_438, %dma_wait3A_439] : memref<6x40x128xf32, #tpu.memory_space<vmem>> -> memref<1x40x128xf32, #tpu.memory_space<vmem>>
        %dma_wait3A_441 = tpu.memref_squeeze %dma_wait3A_440 : memref<1x40x128xf32, #tpu.memory_space<vmem>> -> memref<40x128xf32, #tpu.memory_space<vmem>>
        %dma_wait3A_442 = arith.constant 0 : i32
        %dma_wait3A_443 = arith.constant 0 : i32
        %dma_wait3A_444 = tpu.memref_slice %arg4[%dma_wait3A_442, %dma_wait3A_443] : memref<10000x128xf32, #tpu.memory_space<hbm>> -> memref<40x128xf32, #tpu.memory_space<hbm>>
        tpu.wait_dma2 semaphore(%run_scoped3A_17 : memref<!tpu.dma_semaphore, #tpu.memory_space<semaphore_mem>>) src(%dma_wait3A_444 : memref<40x128xf32, #tpu.memory_space<hbm>>) dst(%dma_wait3A_441 : memref<40x128xf32, #tpu.memory_space<vmem>>)
        %mul3A_445 = arith.constant 40 : i32
        %mul3A_446 = arith.muli %add3A_429, %mul3A_445 : i32
        %dma_start3A_447 = arith.constant 4 : i32
        %dma_start3A_448 = arith.constant 0 : i32
        %dma_start3A_449 = arith.constant 0 : i32
        %dma_start3A_450 = tpu.memref_slice %run_scoped3A[%dma_start3A_447, %dma_start3A_448, %dma_start3A_449] : memref<6x40x128xf32, #tpu.memory_space<vmem>> -> memref<1x40x128xf32, #tpu.memory_space<vmem>>
        %dma_start3A_451 = tpu.memref_squeeze %dma_start3A_450 : memref<1x40x128xf32, #tpu.memory_space<vmem>> -> memref<40x128xf32, #tpu.memory_space<vmem>>
        %dma_start3A_452 = tpu.memref_slice %arg10[%mul3A_446] : memref<10000xi32, #tpu.memory_space<vmem>> -> memref<40xi32, #tpu.memory_space<vmem>>
        %dma_start3A_453 = arith.constant 0 : i32
        %dma_start3A_454 = arith.constant 0 : i32
        %dma_start3A_455 = tpu.memref_slice %arg11[%dma_start3A_453, %dma_start3A_454] : memref<10000x128xf32, #tpu.memory_space<vmem_shared>> -> memref<10000x128xf32, #tpu.memory_space<vmem_shared>>
        tpu.enqueue_indirect_dma source(%dma_start3A_451 : memref<40x128xf32, #tpu.memory_space<vmem>>) target(%dma_start3A_455 : memref<10000x128xf32, #tpu.memory_space<vmem_shared>>) offsets(%dma_start3A_452 : memref<40xi32, #tpu.memory_space<vmem>>) semaphore(%run_scoped3A_23 : memref<!tpu.dma_semaphore, #tpu.memory_space<semaphore_mem>>) {add = true}
        %add3A_456 = arith.constant 6 : i32
        %add3A_457 = arith.addi %add3A_429, %add3A_456 : i32
        %lt3A_458 = arith.constant 250 : i32
        %lt3A_459 = arith.cmpi slt, %add3A_457, %lt3A_458 : i32
        %convert_element_type3A_460 = arith.extui %lt3A_459 : i1 to i32
        %cond3A_461 = arith.constant 0 : i32
        %cond3A_462 = arith.cmpi ne, %convert_element_type3A_460, %cond3A_461 : i32
        scf.if %cond3A_462 {
          %dma_wait3A_500 = arith.constant 4 : i32
          %dma_wait3A_501 = arith.constant 0 : i32
          %dma_wait3A_502 = arith.constant 0 : i32
          %dma_wait3A_503 = tpu.memref_slice %run_scoped3A[%dma_wait3A_500, %dma_wait3A_501, %dma_wait3A_502] : memref<6x40x128xf32, #tpu.memory_space<vmem>> -> memref<1x40x128xf32, #tpu.memory_space<vmem>>
          %dma_wait3A_504 = tpu.memref_squeeze %dma_wait3A_503 : memref<1x40x128xf32, #tpu.memory_space<vmem>> -> memref<40x128xf32, #tpu.memory_space<vmem>>
          %dma_wait3A_505 = arith.constant 0 : i32
          %dma_wait3A_506 = arith.constant 0 : i32
          %dma_wait3A_507 = tpu.memref_slice %arg11[%dma_wait3A_505, %dma_wait3A_506] : memref<10000x128xf32, #tpu.memory_space<vmem_shared>> -> memref<40x128xf32, #tpu.memory_space<vmem_shared>>
          %dma_wait3A_508 = arith.constant 0 : i32
          %dma_wait3A_509 = arith.constant 0 : i32
          %dma_wait3A_510 = tpu.memref_slice %arg11[%dma_wait3A_508, %dma_wait3A_509] : memref<10000x128xf32, #tpu.memory_space<vmem_shared>> -> memref<40x128xf32, #tpu.memory_space<vmem_shared>>
          %dma_wait3A_511 = arith.constant 0 : i32
          %dma_wait3A_512 = arith.constant 0 : i32
          %dma_wait3A_513 = tpu.memref_slice %run_scoped3A[%dma_wait3A_500, %dma_wait3A_511, %dma_wait3A_512] : memref<6x40x128xf32, #tpu.memory_space<vmem>> -> memref<1x40x128xf32, #tpu.memory_space<vmem>>
          %dma_wait3A_514 = tpu.memref_squeeze %dma_wait3A_513 : memref<1x40x128xf32, #tpu.memory_space<vmem>> -> memref<40x128xf32, #tpu.memory_space<vmem>>
          tpu.wait_dma2 semaphore(%run_scoped3A_23 : memref<!tpu.dma_semaphore, #tpu.memory_space<semaphore_mem>>) src(%dma_wait3A_514 : memref<40x128xf32, #tpu.memory_space<vmem>>) dst(%dma_wait3A_510 : memref<40x128xf32, #tpu.memory_space<vmem_shared>>)
          %mul3A_515 = arith.constant 40 : i32
          %mul3A_516 = arith.muli %add3A_457, %mul3A_515 : i32
          %dma_start3A_517 = arith.constant 4 : i32
          %dma_start3A_518 = arith.constant 0 : i32
          %dma_start3A_519 = arith.constant 0 : i32
          %dma_start3A_520 = tpu.memref_slice %run_scoped3A[%dma_start3A_517, %dma_start3A_518, %dma_start3A_519] : memref<6x40x128xf32, #tpu.memory_space<vmem>> -> memref<1x40x128xf32, #tpu.memory_space<vmem>>
          %dma_start3A_521 = tpu.memref_squeeze %dma_start3A_520 : memref<1x40x128xf32, #tpu.memory_space<vmem>> -> memref<40x128xf32, #tpu.memory_space<vmem>>
          %dma_start3A_522 = tpu.memref_slice %arg9[%mul3A_516] : memref<10000xi32, #tpu.memory_space<vmem>> -> memref<40xi32, #tpu.memory_space<vmem>>
          %dma_start3A_523 = arith.constant 0 : i32
          %dma_start3A_524 = arith.constant 0 : i32
          %dma_start3A_525 = tpu.memref_slice %arg4[%dma_start3A_523, %dma_start3A_524] : memref<10000x128xf32, #tpu.memory_space<hbm>> -> memref<10000x128xf32, #tpu.memory_space<hbm>>
          tpu.enqueue_indirect_dma source(%dma_start3A_525 : memref<10000x128xf32, #tpu.memory_space<hbm>>) target(%dma_start3A_521 : memref<40x128xf32, #tpu.memory_space<vmem>>) offsets(%dma_start3A_522 : memref<40xi32, #tpu.memory_space<vmem>>) semaphore(%run_scoped3A_17 : memref<!tpu.dma_semaphore, #tpu.memory_space<semaphore_mem>>)
        } else {
        }
        %mul3A_463 = arith.constant 6 : i32
        %mul3A_464 = arith.muli %scan3A_278, %mul3A_463 : i32
        %add3A_465 = arith.constant 5 : i32
        %add3A_466 = arith.addi %mul3A_464, %add3A_465 : i32
        %dma_wait3A_467 = arith.constant 5 : i32
        %dma_wait3A_468 = arith.constant 0 : i32
        %dma_wait3A_469 = arith.constant 0 : i32
        %dma_wait3A_470 = tpu.memref_slice %run_scoped3A[%dma_wait3A_467, %dma_wait3A_468, %dma_wait3A_469] : memref<6x40x128xf32, #tpu.memory_space<vmem>> -> memref<1x40x128xf32, #tpu.memory_space<vmem>>
        %dma_wait3A_471 = tpu.memref_squeeze %dma_wait3A_470 : memref<1x40x128xf32, #tpu.memory_space<vmem>> -> memref<40x128xf32, #tpu.memory_space<vmem>>
        %dma_wait3A_472 = arith.constant 0 : i32
        %dma_wait3A_473 = arith.constant 0 : i32
        %dma_wait3A_474 = tpu.memref_slice %arg4[%dma_wait3A_472, %dma_wait3A_473] : memref<10000x128xf32, #tpu.memory_space<hbm>> -> memref<40x128xf32, #tpu.memory_space<hbm>>
        %dma_wait3A_475 = arith.constant 0 : i32
        %dma_wait3A_476 = arith.constant 0 : i32
        %dma_wait3A_477 = tpu.memref_slice %run_scoped3A[%dma_wait3A_467, %dma_wait3A_475, %dma_wait3A_476] : memref<6x40x128xf32, #tpu.memory_space<vmem>> -> memref<1x40x128xf32, #tpu.memory_space<vmem>>
        %dma_wait3A_478 = tpu.memref_squeeze %dma_wait3A_477 : memref<1x40x128xf32, #tpu.memory_space<vmem>> -> memref<40x128xf32, #tpu.memory_space<vmem>>
        %dma_wait3A_479 = arith.constant 0 : i32
        %dma_wait3A_480 = arith.constant 0 : i32
        %dma_wait3A_481 = tpu.memref_slice %arg4[%dma_wait3A_479, %dma_wait3A_480] : memref<10000x128xf32, #tpu.memory_space<hbm>> -> memref<40x128xf32, #tpu.memory_space<hbm>>
        tpu.wait_dma2 semaphore(%run_scoped3A_18 : memref<!tpu.dma_semaphore, #tpu.memory_space<semaphore_mem>>) src(%dma_wait3A_481 : memref<40x128xf32, #tpu.memory_space<hbm>>) dst(%dma_wait3A_478 : memref<40x128xf32, #tpu.memory_space<vmem>>)
        %mul3A_482 = arith.constant 40 : i32
        %mul3A_483 = arith.muli %add3A_466, %mul3A_482 : i32
        %dma_start3A_484 = arith.constant 5 : i32
        %dma_start3A_485 = arith.constant 0 : i32
        %dma_start3A_486 = arith.constant 0 : i32
        %dma_start3A_487 = tpu.memref_slice %run_scoped3A[%dma_start3A_484, %dma_start3A_485, %dma_start3A_486] : memref<6x40x128xf32, #tpu.memory_space<vmem>> -> memref<1x40x128xf32, #tpu.memory_space<vmem>>
        %dma_start3A_488 = tpu.memref_squeeze %dma_start3A_487 : memref<1x40x128xf32, #tpu.memory_space<vmem>> -> memref<40x128xf32, #tpu.memory_space<vmem>>
        %dma_start3A_489 = tpu.memref_slice %arg10[%mul3A_483] : memref<10000xi32, #tpu.memory_space<vmem>> -> memref<40xi32, #tpu.memory_space<vmem>>
        %dma_start3A_490 = arith.constant 0 : i32
        %dma_start3A_491 = arith.constant 0 : i32
        %dma_start3A_492 = tpu.memref_slice %arg11[%dma_start3A_490, %dma_start3A_491] : memref<10000x128xf32, #tpu.memory_space<vmem_shared>> -> memref<10000x128xf32, #tpu.memory_space<vmem_shared>>
        tpu.enqueue_indirect_dma source(%dma_start3A_488 : memref<40x128xf32, #tpu.memory_space<vmem>>) target(%dma_start3A_492 : memref<10000x128xf32, #tpu.memory_space<vmem_shared>>) offsets(%dma_start3A_489 : memref<40xi32, #tpu.memory_space<vmem>>) semaphore(%run_scoped3A_24 : memref<!tpu.dma_semaphore, #tpu.memory_space<semaphore_mem>>) {add = true}
        %add3A_493 = arith.constant 6 : i32
        %add3A_494 = arith.addi %add3A_466, %add3A_493 : i32
        %lt3A_495 = arith.constant 250 : i32
        %lt3A_496 = arith.cmpi slt, %add3A_494, %lt3A_495 : i32
        %convert_element_type3A_497 = arith.extui %lt3A_496 : i1 to i32
        %cond3A_498 = arith.constant 0 : i32
        %cond3A_499 = arith.cmpi ne, %convert_element_type3A_497, %cond3A_498 : i32
        scf.if %cond3A_499 {
          %dma_wait3A_500 = arith.constant 5 : i32
          %dma_wait3A_501 = arith.constant 0 : i32
          %dma_wait3A_502 = arith.constant 0 : i32
          %dma_wait3A_503 = tpu.memref_slice %run_scoped3A[%dma_wait3A_500, %dma_wait3A_501, %dma_wait3A_502] : memref<6x40x128xf32, #tpu.memory_space<vmem>> -> memref<1x40x128xf32, #tpu.memory_space<vmem>>
          %dma_wait3A_504 = tpu.memref_squeeze %dma_wait3A_503 : memref<1x40x128xf32, #tpu.memory_space<vmem>> -> memref<40x128xf32, #tpu.memory_space<vmem>>
          %dma_wait3A_505 = arith.constant 0 : i32
          %dma_wait3A_506 = arith.constant 0 : i32
          %dma_wait3A_507 = tpu.memref_slice %arg11[%dma_wait3A_505, %dma_wait3A_506] : memref<10000x128xf32, #tpu.memory_space<vmem_shared>> -> memref<40x128xf32, #tpu.memory_space<vmem_shared>>
          %dma_wait3A_508 = arith.constant 0 : i32
          %dma_wait3A_509 = arith.constant 0 : i32
          %dma_wait3A_510 = tpu.memref_slice %arg11[%dma_wait3A_508, %dma_wait3A_509] : memref<10000x128xf32, #tpu.memory_space<vmem_shared>> -> memref<40x128xf32, #tpu.memory_space<vmem_shared>>
          %dma_wait3A_511 = arith.constant 0 : i32
          %dma_wait3A_512 = arith.constant 0 : i32
          %dma_wait3A_513 = tpu.memref_slice %run_scoped3A[%dma_wait3A_500, %dma_wait3A_511, %dma_wait3A_512] : memref<6x40x128xf32, #tpu.memory_space<vmem>> -> memref<1x40x128xf32, #tpu.memory_space<vmem>>
          %dma_wait3A_514 = tpu.memref_squeeze %dma_wait3A_513 : memref<1x40x128xf32, #tpu.memory_space<vmem>> -> memref<40x128xf32, #tpu.memory_space<vmem>>
          tpu.wait_dma2 semaphore(%run_scoped3A_24 : memref<!tpu.dma_semaphore, #tpu.memory_space<semaphore_mem>>) src(%dma_wait3A_514 : memref<40x128xf32, #tpu.memory_space<vmem>>) dst(%dma_wait3A_510 : memref<40x128xf32, #tpu.memory_space<vmem_shared>>)
          %mul3A_515 = arith.constant 40 : i32
          %mul3A_516 = arith.muli %add3A_494, %mul3A_515 : i32
          %dma_start3A_517 = arith.constant 5 : i32
          %dma_start3A_518 = arith.constant 0 : i32
          %dma_start3A_519 = arith.constant 0 : i32
          %dma_start3A_520 = tpu.memref_slice %run_scoped3A[%dma_start3A_517, %dma_start3A_518, %dma_start3A_519] : memref<6x40x128xf32, #tpu.memory_space<vmem>> -> memref<1x40x128xf32, #tpu.memory_space<vmem>>
          %dma_start3A_521 = tpu.memref_squeeze %dma_start3A_520 : memref<1x40x128xf32, #tpu.memory_space<vmem>> -> memref<40x128xf32, #tpu.memory_space<vmem>>
          %dma_start3A_522 = tpu.memref_slice %arg9[%mul3A_516] : memref<10000xi32, #tpu.memory_space<vmem>> -> memref<40xi32, #tpu.memory_space<vmem>>
          %dma_start3A_523 = arith.constant 0 : i32
          %dma_start3A_524 = arith.constant 0 : i32
          %dma_start3A_525 = tpu.memref_slice %arg4[%dma_start3A_523, %dma_start3A_524] : memref<10000x128xf32, #tpu.memory_space<hbm>> -> memref<10000x128xf32, #tpu.memory_space<hbm>>
          tpu.enqueue_indirect_dma source(%dma_start3A_525 : memref<10000x128xf32, #tpu.memory_space<hbm>>) target(%dma_start3A_521 : memref<40x128xf32, #tpu.memory_space<vmem>>) offsets(%dma_start3A_522 : memref<40xi32, #tpu.memory_space<vmem>>) semaphore(%run_scoped3A_18 : memref<!tpu.dma_semaphore, #tpu.memory_space<semaphore_mem>>)
        } else {
        }
      }
      %scan3A_88 = arith.constant 41 : i32
      %dma_wait3A = arith.constant 0 : i32
      %dma_wait3A_89 = arith.constant 0 : i32
      %dma_wait3A_90 = arith.constant 0 : i32
      %dma_wait3A_91 = tpu.memref_slice %run_scoped3A[%dma_wait3A, %dma_wait3A_89, %dma_wait3A_90] : memref<6x40x128xf32, #tpu.memory_space<vmem>> -> memref<1x40x128xf32, #tpu.memory_space<vmem>>
      %dma_wait3A_92 = tpu.memref_squeeze %dma_wait3A_91 : memref<1x40x128xf32, #tpu.memory_space<vmem>> -> memref<40x128xf32, #tpu.memory_space<vmem>>
      %dma_wait3A_93 = arith.constant 0 : i32
      %dma_wait3A_94 = arith.constant 0 : i32
      %dma_wait3A_95 = tpu.memref_slice %arg4[%dma_wait3A_93, %dma_wait3A_94] : memref<10000x128xf32, #tpu.memory_space<hbm>> -> memref<40x128xf32, #tpu.memory_space<hbm>>
      %dma_wait3A_96 = arith.constant 0 : i32
      %dma_wait3A_97 = arith.constant 0 : i32
      %dma_wait3A_98 = tpu.memref_slice %run_scoped3A[%dma_wait3A, %dma_wait3A_96, %dma_wait3A_97] : memref<6x40x128xf32, #tpu.memory_space<vmem>> -> memref<1x40x128xf32, #tpu.memory_space<vmem>>
      %dma_wait3A_99 = tpu.memref_squeeze %dma_wait3A_98 : memref<1x40x128xf32, #tpu.memory_space<vmem>> -> memref<40x128xf32, #tpu.memory_space<vmem>>
      %dma_wait3A_100 = arith.constant 0 : i32
      %dma_wait3A_101 = arith.constant 0 : i32
      %dma_wait3A_102 = tpu.memref_slice %arg4[%dma_wait3A_100, %dma_wait3A_101] : memref<10000x128xf32, #tpu.memory_space<hbm>> -> memref<40x128xf32, #tpu.memory_space<hbm>>
      tpu.wait_dma2 semaphore(%run_scoped3A_13 : memref<!tpu.dma_semaphore, #tpu.memory_space<semaphore_mem>>) src(%dma_wait3A_102 : memref<40x128xf32, #tpu.memory_space<hbm>>) dst(%dma_wait3A_99 : memref<40x128xf32, #tpu.memory_space<vmem>>)
      %dma_start3A_103 = arith.constant 0 : i32
      %dma_start3A_104 = arith.constant 0 : i32
      %dma_start3A_105 = arith.constant 0 : i32
      %dma_start3A_106 = tpu.memref_slice %run_scoped3A[%dma_start3A_103, %dma_start3A_104, %dma_start3A_105] : memref<6x40x128xf32, #tpu.memory_space<vmem>> -> memref<1x40x128xf32, #tpu.memory_space<vmem>>
      %dma_start3A_107 = tpu.memref_squeeze %dma_start3A_106 : memref<1x40x128xf32, #tpu.memory_space<vmem>> -> memref<40x128xf32, #tpu.memory_space<vmem>>
      %dma_start3A_108 = arith.constant 9840 : i32
      %dma_start3A_109 = tpu.memref_slice %arg10[%dma_start3A_108] : memref<10000xi32, #tpu.memory_space<vmem>> -> memref<40xi32, #tpu.memory_space<vmem>>
      %dma_start3A_110 = arith.constant 0 : i32
      %dma_start3A_111 = arith.constant 0 : i32
      %dma_start3A_112 = tpu.memref_slice %arg11[%dma_start3A_110, %dma_start3A_111] : memref<10000x128xf32, #tpu.memory_space<vmem_shared>> -> memref<10000x128xf32, #tpu.memory_space<vmem_shared>>
      tpu.enqueue_indirect_dma source(%dma_start3A_107 : memref<40x128xf32, #tpu.memory_space<vmem>>) target(%dma_start3A_112 : memref<10000x128xf32, #tpu.memory_space<vmem_shared>>) offsets(%dma_start3A_109 : memref<40xi32, #tpu.memory_space<vmem>>) semaphore(%run_scoped3A_19 : memref<!tpu.dma_semaphore, #tpu.memory_space<semaphore_mem>>) {add = true}
      %dma_wait3A_113 = arith.constant 1 : i32
      %dma_wait3A_114 = arith.constant 0 : i32
      %dma_wait3A_115 = arith.constant 0 : i32
      %dma_wait3A_116 = tpu.memref_slice %run_scoped3A[%dma_wait3A_113, %dma_wait3A_114, %dma_wait3A_115] : memref<6x40x128xf32, #tpu.memory_space<vmem>> -> memref<1x40x128xf32, #tpu.memory_space<vmem>>
      %dma_wait3A_117 = tpu.memref_squeeze %dma_wait3A_116 : memref<1x40x128xf32, #tpu.memory_space<vmem>> -> memref<40x128xf32, #tpu.memory_space<vmem>>
      %dma_wait3A_118 = arith.constant 0 : i32
      %dma_wait3A_119 = arith.constant 0 : i32
      %dma_wait3A_120 = tpu.memref_slice %arg4[%dma_wait3A_118, %dma_wait3A_119] : memref<10000x128xf32, #tpu.memory_space<hbm>> -> memref<40x128xf32, #tpu.memory_space<hbm>>
      %dma_wait3A_121 = arith.constant 0 : i32
      %dma_wait3A_122 = arith.constant 0 : i32
      %dma_wait3A_123 = tpu.memref_slice %run_scoped3A[%dma_wait3A_113, %dma_wait3A_121, %dma_wait3A_122] : memref<6x40x128xf32, #tpu.memory_space<vmem>> -> memref<1x40x128xf32, #tpu.memory_space<vmem>>
      %dma_wait3A_124 = tpu.memref_squeeze %dma_wait3A_123 : memref<1x40x128xf32, #tpu.memory_space<vmem>> -> memref<40x128xf32, #tpu.memory_space<vmem>>
      %dma_wait3A_125 = arith.constant 0 : i32
      %dma_wait3A_126 = arith.constant 0 : i32
      %dma_wait3A_127 = tpu.memref_slice %arg4[%dma_wait3A_125, %dma_wait3A_126] : memref<10000x128xf32, #tpu.memory_space<hbm>> -> memref<40x128xf32, #tpu.memory_space<hbm>>
      tpu.wait_dma2 semaphore(%run_scoped3A_14 : memref<!tpu.dma_semaphore, #tpu.memory_space<semaphore_mem>>) src(%dma_wait3A_127 : memref<40x128xf32, #tpu.memory_space<hbm>>) dst(%dma_wait3A_124 : memref<40x128xf32, #tpu.memory_space<vmem>>)
      %dma_start3A_128 = arith.constant 1 : i32
      %dma_start3A_129 = arith.constant 0 : i32
      %dma_start3A_130 = arith.constant 0 : i32
      %dma_start3A_131 = tpu.memref_slice %run_scoped3A[%dma_start3A_128, %dma_start3A_129, %dma_start3A_130] : memref<6x40x128xf32, #tpu.memory_space<vmem>> -> memref<1x40x128xf32, #tpu.memory_space<vmem>>
      %dma_start3A_132 = tpu.memref_squeeze %dma_start3A_131 : memref<1x40x128xf32, #tpu.memory_space<vmem>> -> memref<40x128xf32, #tpu.memory_space<vmem>>
      %dma_start3A_133 = arith.constant 9880 : i32
      %dma_start3A_134 = tpu.memref_slice %arg10[%dma_start3A_133] : memref<10000xi32, #tpu.memory_space<vmem>> -> memref<40xi32, #tpu.memory_space<vmem>>
      %dma_start3A_135 = arith.constant 0 : i32
      %dma_start3A_136 = arith.constant 0 : i32
      %dma_start3A_137 = tpu.memref_slice %arg11[%dma_start3A_135, %dma_start3A_136] : memref<10000x128xf32, #tpu.memory_space<vmem_shared>> -> memref<10000x128xf32, #tpu.memory_space<vmem_shared>>
      tpu.enqueue_indirect_dma source(%dma_start3A_132 : memref<40x128xf32, #tpu.memory_space<vmem>>) target(%dma_start3A_137 : memref<10000x128xf32, #tpu.memory_space<vmem_shared>>) offsets(%dma_start3A_134 : memref<40xi32, #tpu.memory_space<vmem>>) semaphore(%run_scoped3A_20 : memref<!tpu.dma_semaphore, #tpu.memory_space<semaphore_mem>>) {add = true}
      %dma_wait3A_138 = arith.constant 2 : i32
      %dma_wait3A_139 = arith.constant 0 : i32
      %dma_wait3A_140 = arith.constant 0 : i32
      %dma_wait3A_141 = tpu.memref_slice %run_scoped3A[%dma_wait3A_138, %dma_wait3A_139, %dma_wait3A_140] : memref<6x40x128xf32, #tpu.memory_space<vmem>> -> memref<1x40x128xf32, #tpu.memory_space<vmem>>
      %dma_wait3A_142 = tpu.memref_squeeze %dma_wait3A_141 : memref<1x40x128xf32, #tpu.memory_space<vmem>> -> memref<40x128xf32, #tpu.memory_space<vmem>>
      %dma_wait3A_143 = arith.constant 0 : i32
      %dma_wait3A_144 = arith.constant 0 : i32
      %dma_wait3A_145 = tpu.memref_slice %arg4[%dma_wait3A_143, %dma_wait3A_144] : memref<10000x128xf32, #tpu.memory_space<hbm>> -> memref<40x128xf32, #tpu.memory_space<hbm>>
      %dma_wait3A_146 = arith.constant 0 : i32
      %dma_wait3A_147 = arith.constant 0 : i32
      %dma_wait3A_148 = tpu.memref_slice %run_scoped3A[%dma_wait3A_138, %dma_wait3A_146, %dma_wait3A_147] : memref<6x40x128xf32, #tpu.memory_space<vmem>> -> memref<1x40x128xf32, #tpu.memory_space<vmem>>
      %dma_wait3A_149 = tpu.memref_squeeze %dma_wait3A_148 : memref<1x40x128xf32, #tpu.memory_space<vmem>> -> memref<40x128xf32, #tpu.memory_space<vmem>>
      %dma_wait3A_150 = arith.constant 0 : i32
      %dma_wait3A_151 = arith.constant 0 : i32
      %dma_wait3A_152 = tpu.memref_slice %arg4[%dma_wait3A_150, %dma_wait3A_151] : memref<10000x128xf32, #tpu.memory_space<hbm>> -> memref<40x128xf32, #tpu.memory_space<hbm>>
      tpu.wait_dma2 semaphore(%run_scoped3A_15 : memref<!tpu.dma_semaphore, #tpu.memory_space<semaphore_mem>>) src(%dma_wait3A_152 : memref<40x128xf32, #tpu.memory_space<hbm>>) dst(%dma_wait3A_149 : memref<40x128xf32, #tpu.memory_space<vmem>>)
      %dma_start3A_153 = arith.constant 2 : i32
      %dma_start3A_154 = arith.constant 0 : i32
      %dma_start3A_155 = arith.constant 0 : i32
      %dma_start3A_156 = tpu.memref_slice %run_scoped3A[%dma_start3A_153, %dma_start3A_154, %dma_start3A_155] : memref<6x40x128xf32, #tpu.memory_space<vmem>> -> memref<1x40x128xf32, #tpu.memory_space<vmem>>
      %dma_start3A_157 = tpu.memref_squeeze %dma_start3A_156 : memref<1x40x128xf32, #tpu.memory_space<vmem>> -> memref<40x128xf32, #tpu.memory_space<vmem>>
      %dma_start3A_158 = arith.constant 9920 : i32
      %dma_start3A_159 = tpu.memref_slice %arg10[%dma_start3A_158] : memref<10000xi32, #tpu.memory_space<vmem>> -> memref<40xi32, #tpu.memory_space<vmem>>
      %dma_start3A_160 = arith.constant 0 : i32
      %dma_start3A_161 = arith.constant 0 : i32
      %dma_start3A_162 = tpu.memref_slice %arg11[%dma_start3A_160, %dma_start3A_161] : memref<10000x128xf32, #tpu.memory_space<vmem_shared>> -> memref<10000x128xf32, #tpu.memory_space<vmem_shared>>
      tpu.enqueue_indirect_dma source(%dma_start3A_157 : memref<40x128xf32, #tpu.memory_space<vmem>>) target(%dma_start3A_162 : memref<10000x128xf32, #tpu.memory_space<vmem_shared>>) offsets(%dma_start3A_159 : memref<40xi32, #tpu.memory_space<vmem>>) semaphore(%run_scoped3A_21 : memref<!tpu.dma_semaphore, #tpu.memory_space<semaphore_mem>>) {add = true}
      %dma_wait3A_163 = arith.constant 3 : i32
      %dma_wait3A_164 = arith.constant 0 : i32
      %dma_wait3A_165 = arith.constant 0 : i32
      %dma_wait3A_166 = tpu.memref_slice %run_scoped3A[%dma_wait3A_163, %dma_wait3A_164, %dma_wait3A_165] : memref<6x40x128xf32, #tpu.memory_space<vmem>> -> memref<1x40x128xf32, #tpu.memory_space<vmem>>
      %dma_wait3A_167 = tpu.memref_squeeze %dma_wait3A_166 : memref<1x40x128xf32, #tpu.memory_space<vmem>> -> memref<40x128xf32, #tpu.memory_space<vmem>>
      %dma_wait3A_168 = arith.constant 0 : i32
      %dma_wait3A_169 = arith.constant 0 : i32
      %dma_wait3A_170 = tpu.memref_slice %arg4[%dma_wait3A_168, %dma_wait3A_169] : memref<10000x128xf32, #tpu.memory_space<hbm>> -> memref<40x128xf32, #tpu.memory_space<hbm>>
      %dma_wait3A_171 = arith.constant 0 : i32
      %dma_wait3A_172 = arith.constant 0 : i32
      %dma_wait3A_173 = tpu.memref_slice %run_scoped3A[%dma_wait3A_163, %dma_wait3A_171, %dma_wait3A_172] : memref<6x40x128xf32, #tpu.memory_space<vmem>> -> memref<1x40x128xf32, #tpu.memory_space<vmem>>
      %dma_wait3A_174 = tpu.memref_squeeze %dma_wait3A_173 : memref<1x40x128xf32, #tpu.memory_space<vmem>> -> memref<40x128xf32, #tpu.memory_space<vmem>>
      %dma_wait3A_175 = arith.constant 0 : i32
      %dma_wait3A_176 = arith.constant 0 : i32
      %dma_wait3A_177 = tpu.memref_slice %arg4[%dma_wait3A_175, %dma_wait3A_176] : memref<10000x128xf32, #tpu.memory_space<hbm>> -> memref<40x128xf32, #tpu.memory_space<hbm>>
      tpu.wait_dma2 semaphore(%run_scoped3A_16 : memref<!tpu.dma_semaphore, #tpu.memory_space<semaphore_mem>>) src(%dma_wait3A_177 : memref<40x128xf32, #tpu.memory_space<hbm>>) dst(%dma_wait3A_174 : memref<40x128xf32, #tpu.memory_space<vmem>>)
      %dma_start3A_178 = arith.constant 3 : i32
      %dma_start3A_179 = arith.constant 0 : i32
      %dma_start3A_180 = arith.constant 0 : i32
      %dma_start3A_181 = tpu.memref_slice %run_scoped3A[%dma_start3A_178, %dma_start3A_179, %dma_start3A_180] : memref<6x40x128xf32, #tpu.memory_space<vmem>> -> memref<1x40x128xf32, #tpu.memory_space<vmem>>
      %dma_start3A_182 = tpu.memref_squeeze %dma_start3A_181 : memref<1x40x128xf32, #tpu.memory_space<vmem>> -> memref<40x128xf32, #tpu.memory_space<vmem>>
      %dma_start3A_183 = arith.constant 9960 : i32
      %dma_start3A_184 = tpu.memref_slice %arg10[%dma_start3A_183] : memref<10000xi32, #tpu.memory_space<vmem>> -> memref<40xi32, #tpu.memory_space<vmem>>
      %dma_start3A_185 = arith.constant 0 : i32
      %dma_start3A_186 = arith.constant 0 : i32
      %dma_start3A_187 = tpu.memref_slice %arg11[%dma_start3A_185, %dma_start3A_186] : memref<10000x128xf32, #tpu.memory_space<vmem_shared>> -> memref<10000x128xf32, #tpu.memory_space<vmem_shared>>
      tpu.enqueue_indirect_dma source(%dma_start3A_182 : memref<40x128xf32, #tpu.memory_space<vmem>>) target(%dma_start3A_187 : memref<10000x128xf32, #tpu.memory_space<vmem_shared>>) offsets(%dma_start3A_184 : memref<40xi32, #tpu.memory_space<vmem>>) semaphore(%run_scoped3A_22 : memref<!tpu.dma_semaphore, #tpu.memory_space<semaphore_mem>>) {add = true}
      %dma_wait3A_188 = arith.constant 0 : i32
      %dma_wait3A_189 = arith.constant 0 : i32
      %dma_wait3A_190 = arith.constant 0 : i32
      %dma_wait3A_191 = tpu.memref_slice %run_scoped3A[%dma_wait3A_188, %dma_wait3A_189, %dma_wait3A_190] : memref<6x40x128xf32, #tpu.memory_space<vmem>> -> memref<1x40x128xf32, #tpu.memory_space<vmem>>
      %dma_wait3A_192 = tpu.memref_squeeze %dma_wait3A_191 : memref<1x40x128xf32, #tpu.memory_space<vmem>> -> memref<40x128xf32, #tpu.memory_space<vmem>>
      %dma_wait3A_193 = arith.constant 0 : i32
      %dma_wait3A_194 = arith.constant 0 : i32
      %dma_wait3A_195 = tpu.memref_slice %arg11[%dma_wait3A_193, %dma_wait3A_194] : memref<10000x128xf32, #tpu.memory_space<vmem_shared>> -> memref<40x128xf32, #tpu.memory_space<vmem_shared>>
      %dma_wait3A_196 = arith.constant 0 : i32
      %dma_wait3A_197 = arith.constant 0 : i32
      %dma_wait3A_198 = tpu.memref_slice %arg11[%dma_wait3A_196, %dma_wait3A_197] : memref<10000x128xf32, #tpu.memory_space<vmem_shared>> -> memref<40x128xf32, #tpu.memory_space<vmem_shared>>
      %dma_wait3A_199 = arith.constant 0 : i32
      %dma_wait3A_200 = arith.constant 0 : i32
      %dma_wait3A_201 = tpu.memref_slice %run_scoped3A[%dma_wait3A_188, %dma_wait3A_199, %dma_wait3A_200] : memref<6x40x128xf32, #tpu.memory_space<vmem>> -> memref<1x40x128xf32, #tpu.memory_space<vmem>>
      %dma_wait3A_202 = tpu.memref_squeeze %dma_wait3A_201 : memref<1x40x128xf32, #tpu.memory_space<vmem>> -> memref<40x128xf32, #tpu.memory_space<vmem>>
      tpu.wait_dma2 semaphore(%run_scoped3A_19 : memref<!tpu.dma_semaphore, #tpu.memory_space<semaphore_mem>>) src(%dma_wait3A_202 : memref<40x128xf32, #tpu.memory_space<vmem>>) dst(%dma_wait3A_198 : memref<40x128xf32, #tpu.memory_space<vmem_shared>>)
      %dma_wait3A_203 = arith.constant 1 : i32
      %dma_wait3A_204 = arith.constant 0 : i32
      %dma_wait3A_205 = arith.constant 0 : i32
      %dma_wait3A_206 = tpu.memref_slice %run_scoped3A[%dma_wait3A_203, %dma_wait3A_204, %dma_wait3A_205] : memref<6x40x128xf32, #tpu.memory_space<vmem>> -> memref<1x40x128xf32, #tpu.memory_space<vmem>>
      %dma_wait3A_207 = tpu.memref_squeeze %dma_wait3A_206 : memref<1x40x128xf32, #tpu.memory_space<vmem>> -> memref<40x128xf32, #tpu.memory_space<vmem>>
      %dma_wait3A_208 = arith.constant 0 : i32
      %dma_wait3A_209 = arith.constant 0 : i32
      %dma_wait3A_210 = tpu.memref_slice %arg11[%dma_wait3A_208, %dma_wait3A_209] : memref<10000x128xf32, #tpu.memory_space<vmem_shared>> -> memref<40x128xf32, #tpu.memory_space<vmem_shared>>
      %dma_wait3A_211 = arith.constant 0 : i32
      %dma_wait3A_212 = arith.constant 0 : i32
      %dma_wait3A_213 = tpu.memref_slice %arg11[%dma_wait3A_211, %dma_wait3A_212] : memref<10000x128xf32, #tpu.memory_space<vmem_shared>> -> memref<40x128xf32, #tpu.memory_space<vmem_shared>>
      %dma_wait3A_214 = arith.constant 0 : i32
      %dma_wait3A_215 = arith.constant 0 : i32
      %dma_wait3A_216 = tpu.memref_slice %run_scoped3A[%dma_wait3A_203, %dma_wait3A_214, %dma_wait3A_215] : memref<6x40x128xf32, #tpu.memory_space<vmem>> -> memref<1x40x128xf32, #tpu.memory_space<vmem>>
      %dma_wait3A_217 = tpu.memref_squeeze %dma_wait3A_216 : memref<1x40x128xf32, #tpu.memory_space<vmem>> -> memref<40x128xf32, #tpu.memory_space<vmem>>
      tpu.wait_dma2 semaphore(%run_scoped3A_20 : memref<!tpu.dma_semaphore, #tpu.memory_space<semaphore_mem>>) src(%dma_wait3A_217 : memref<40x128xf32, #tpu.memory_space<vmem>>) dst(%dma_wait3A_213 : memref<40x128xf32, #tpu.memory_space<vmem_shared>>)
      %dma_wait3A_218 = arith.constant 2 : i32
      %dma_wait3A_219 = arith.constant 0 : i32
      %dma_wait3A_220 = arith.constant 0 : i32
      %dma_wait3A_221 = tpu.memref_slice %run_scoped3A[%dma_wait3A_218, %dma_wait3A_219, %dma_wait3A_220] : memref<6x40x128xf32, #tpu.memory_space<vmem>> -> memref<1x40x128xf32, #tpu.memory_space<vmem>>
      %dma_wait3A_222 = tpu.memref_squeeze %dma_wait3A_221 : memref<1x40x128xf32, #tpu.memory_space<vmem>> -> memref<40x128xf32, #tpu.memory_space<vmem>>
      %dma_wait3A_223 = arith.constant 0 : i32
      %dma_wait3A_224 = arith.constant 0 : i32
      %dma_wait3A_225 = tpu.memref_slice %arg11[%dma_wait3A_223, %dma_wait3A_224] : memref<10000x128xf32, #tpu.memory_space<vmem_shared>> -> memref<40x128xf32, #tpu.memory_space<vmem_shared>>
      %dma_wait3A_226 = arith.constant 0 : i32
      %dma_wait3A_227 = arith.constant 0 : i32
      %dma_wait3A_228 = tpu.memref_slice %arg11[%dma_wait3A_226, %dma_wait3A_227] : memref<10000x128xf32, #tpu.memory_space<vmem_shared>> -> memref<40x128xf32, #tpu.memory_space<vmem_shared>>
      %dma_wait3A_229 = arith.constant 0 : i32
      %dma_wait3A_230 = arith.constant 0 : i32
      %dma_wait3A_231 = tpu.memref_slice %run_scoped3A[%dma_wait3A_218, %dma_wait3A_229, %dma_wait3A_230] : memref<6x40x128xf32, #tpu.memory_space<vmem>> -> memref<1x40x128xf32, #tpu.memory_space<vmem>>
      %dma_wait3A_232 = tpu.memref_squeeze %dma_wait3A_231 : memref<1x40x128xf32, #tpu.memory_space<vmem>> -> memref<40x128xf32, #tpu.memory_space<vmem>>
      tpu.wait_dma2 semaphore(%run_scoped3A_21 : memref<!tpu.dma_semaphore, #tpu.memory_space<semaphore_mem>>) src(%dma_wait3A_232 : memref<40x128xf32, #tpu.memory_space<vmem>>) dst(%dma_wait3A_228 : memref<40x128xf32, #tpu.memory_space<vmem_shared>>)
      %dma_wait3A_233 = arith.constant 3 : i32
      %dma_wait3A_234 = arith.constant 0 : i32
      %dma_wait3A_235 = arith.constant 0 : i32
      %dma_wait3A_236 = tpu.memref_slice %run_scoped3A[%dma_wait3A_233, %dma_wait3A_234, %dma_wait3A_235] : memref<6x40x128xf32, #tpu.memory_space<vmem>> -> memref<1x40x128xf32, #tpu.memory_space<vmem>>
      %dma_wait3A_237 = tpu.memref_squeeze %dma_wait3A_236 : memref<1x40x128xf32, #tpu.memory_space<vmem>> -> memref<40x128xf32, #tpu.memory_space<vmem>>
      %dma_wait3A_238 = arith.constant 0 : i32
      %dma_wait3A_239 = arith.constant 0 : i32
      %dma_wait3A_240 = tpu.memref_slice %arg11[%dma_wait3A_238, %dma_wait3A_239] : memref<10000x128xf32, #tpu.memory_space<vmem_shared>> -> memref<40x128xf32, #tpu.memory_space<vmem_shared>>
      %dma_wait3A_241 = arith.constant 0 : i32
      %dma_wait3A_242 = arith.constant 0 : i32
      %dma_wait3A_243 = tpu.memref_slice %arg11[%dma_wait3A_241, %dma_wait3A_242] : memref<10000x128xf32, #tpu.memory_space<vmem_shared>> -> memref<40x128xf32, #tpu.memory_space<vmem_shared>>
      %dma_wait3A_244 = arith.constant 0 : i32
      %dma_wait3A_245 = arith.constant 0 : i32
      %dma_wait3A_246 = tpu.memref_slice %run_scoped3A[%dma_wait3A_233, %dma_wait3A_244, %dma_wait3A_245] : memref<6x40x128xf32, #tpu.memory_space<vmem>> -> memref<1x40x128xf32, #tpu.memory_space<vmem>>
      %dma_wait3A_247 = tpu.memref_squeeze %dma_wait3A_246 : memref<1x40x128xf32, #tpu.memory_space<vmem>> -> memref<40x128xf32, #tpu.memory_space<vmem>>
      tpu.wait_dma2 semaphore(%run_scoped3A_22 : memref<!tpu.dma_semaphore, #tpu.memory_space<semaphore_mem>>) src(%dma_wait3A_247 : memref<40x128xf32, #tpu.memory_space<vmem>>) dst(%dma_wait3A_243 : memref<40x128xf32, #tpu.memory_space<vmem_shared>>)
      %dma_wait3A_248 = arith.constant 4 : i32
      %dma_wait3A_249 = arith.constant 0 : i32
      %dma_wait3A_250 = arith.constant 0 : i32
      %dma_wait3A_251 = tpu.memref_slice %run_scoped3A[%dma_wait3A_248, %dma_wait3A_249, %dma_wait3A_250] : memref<6x40x128xf32, #tpu.memory_space<vmem>> -> memref<1x40x128xf32, #tpu.memory_space<vmem>>
      %dma_wait3A_252 = tpu.memref_squeeze %dma_wait3A_251 : memref<1x40x128xf32, #tpu.memory_space<vmem>> -> memref<40x128xf32, #tpu.memory_space<vmem>>
      %dma_wait3A_253 = arith.constant 0 : i32
      %dma_wait3A_254 = arith.constant 0 : i32
      %dma_wait3A_255 = tpu.memref_slice %arg11[%dma_wait3A_253, %dma_wait3A_254] : memref<10000x128xf32, #tpu.memory_space<vmem_shared>> -> memref<40x128xf32, #tpu.memory_space<vmem_shared>>
      %dma_wait3A_256 = arith.constant 0 : i32
      %dma_wait3A_257 = arith.constant 0 : i32
      %dma_wait3A_258 = tpu.memref_slice %arg11[%dma_wait3A_256, %dma_wait3A_257] : memref<10000x128xf32, #tpu.memory_space<vmem_shared>> -> memref<40x128xf32, #tpu.memory_space<vmem_shared>>
      %dma_wait3A_259 = arith.constant 0 : i32
      %dma_wait3A_260 = arith.constant 0 : i32
      %dma_wait3A_261 = tpu.memref_slice %run_scoped3A[%dma_wait3A_248, %dma_wait3A_259, %dma_wait3A_260] : memref<6x40x128xf32, #tpu.memory_space<vmem>> -> memref<1x40x128xf32, #tpu.memory_space<vmem>>
      %dma_wait3A_262 = tpu.memref_squeeze %dma_wait3A_261 : memref<1x40x128xf32, #tpu.memory_space<vmem>> -> memref<40x128xf32, #tpu.memory_space<vmem>>
      tpu.wait_dma2 semaphore(%run_scoped3A_23 : memref<!tpu.dma_semaphore, #tpu.memory_space<semaphore_mem>>) src(%dma_wait3A_262 : memref<40x128xf32, #tpu.memory_space<vmem>>) dst(%dma_wait3A_258 : memref<40x128xf32, #tpu.memory_space<vmem_shared>>)
      %dma_wait3A_263 = arith.constant 5 : i32
      %dma_wait3A_264 = arith.constant 0 : i32
      %dma_wait3A_265 = arith.constant 0 : i32
      %dma_wait3A_266 = tpu.memref_slice %run_scoped3A[%dma_wait3A_263, %dma_wait3A_264, %dma_wait3A_265] : memref<6x40x128xf32, #tpu.memory_space<vmem>> -> memref<1x40x128xf32, #tpu.memory_space<vmem>>
      %dma_wait3A_267 = tpu.memref_squeeze %dma_wait3A_266 : memref<1x40x128xf32, #tpu.memory_space<vmem>> -> memref<40x128xf32, #tpu.memory_space<vmem>>
      %dma_wait3A_268 = arith.constant 0 : i32
      %dma_wait3A_269 = arith.constant 0 : i32
      %dma_wait3A_270 = tpu.memref_slice %arg11[%dma_wait3A_268, %dma_wait3A_269] : memref<10000x128xf32, #tpu.memory_space<vmem_shared>> -> memref<40x128xf32, #tpu.memory_space<vmem_shared>>
      %dma_wait3A_271 = arith.constant 0 : i32
      %dma_wait3A_272 = arith.constant 0 : i32
      %dma_wait3A_273 = tpu.memref_slice %arg11[%dma_wait3A_271, %dma_wait3A_272] : memref<10000x128xf32, #tpu.memory_space<vmem_shared>> -> memref<40x128xf32, #tpu.memory_space<vmem_shared>>
      %dma_wait3A_274 = arith.constant 0 : i32
      %dma_wait3A_275 = arith.constant 0 : i32
      %dma_wait3A_276 = tpu.memref_slice %run_scoped3A[%dma_wait3A_263, %dma_wait3A_274, %dma_wait3A_275] : memref<6x40x128xf32, #tpu.memory_space<vmem>> -> memref<1x40x128xf32, #tpu.memory_space<vmem>>
      %dma_wait3A_277 = tpu.memref_squeeze %dma_wait3A_276 : memref<1x40x128xf32, #tpu.memory_space<vmem>> -> memref<40x128xf32, #tpu.memory_space<vmem>>
      tpu.wait_dma2 semaphore(%run_scoped3A_24 : memref<!tpu.dma_semaphore, #tpu.memory_space<semaphore_mem>>) src(%dma_wait3A_277 : memref<40x128xf32, #tpu.memory_space<vmem>>) dst(%dma_wait3A_273 : memref<40x128xf32, #tpu.memory_space<vmem_shared>>)
      tpu.yield
    }) : () -> ()
    "tpu.region"() ({
      %run_scoped3A = memref.alloca() : memref<10000xf32, #tpu.memory_space<vmem>>
      "tpu.region"() ({
        %run_scoped3A_19 = tpu.sem_alloc : memref<!tpu.dma_semaphore, #tpu.memory_space<semaphore_mem>>
        tpu.enqueue_dma source(%arg6 : memref<10000xf32, #tpu.memory_space<hbm>>) target(%run_scoped3A : memref<10000xf32, #tpu.memory_space<vmem>>) target_semaphore(%run_scoped3A_19 : memref<!tpu.dma_semaphore, #tpu.memory_space<semaphore_mem>>)
        tpu.wait_dma2 semaphore(%run_scoped3A_19 : memref<!tpu.dma_semaphore, #tpu.memory_space<semaphore_mem>>) src(%arg6 : memref<10000xf32, #tpu.memory_space<hbm>>) dst(%run_scoped3A : memref<10000xf32, #tpu.memory_space<vmem>>)
        tpu.yield
      }) : () -> ()
      %broadcast_in_dim3A = arith.constant 1.000000e+00 : f32
      %broadcast_in_dim3A_13 = vector.broadcast %broadcast_in_dim3A : f32 to vector<16xf32>
      %scan3A = arith.constant 0 : i32
      %scan3A_14 = arith.constant 0 : i32
      %scan3A_15 = arith.constant 625 : i32
      %scan3A_16 = arith.addi %scan3A_14, %scan3A_15 : i32
      %scan3A_17 = arith.constant 1 : i32
      scf.for %scan3A_19 = %scan3A_14 to %scan3A_16 step %scan3A_17  : i32 {
        %mul3A_20 = arith.constant 16 : i32
        %mul3A_21 = arith.muli %scan3A_19, %mul3A_20 : i32
        %get3A = arith.index_cast %mul3A_21 : i32 to index
        %get3A_22 = tpu.vector_load %arg10[%get3A] {strides = array<i32>} : memref<10000xi32, #tpu.memory_space<vmem>>, vector<16xi32>,
        tpu.vector_store_idx %run_scoped3A[%get3A_22], %broadcast_in_dim3A_13 {add = true} : memref<10000xf32, #tpu.memory_space<vmem>>[vector<16xi32>], vector<16xf32>,
      }
      %scan3A_18 = arith.constant 625 : i32
      "tpu.region"() ({
        %run_scoped3A_19 = tpu.sem_alloc : memref<!tpu.dma_semaphore, #tpu.memory_space<semaphore_mem>>
        %dma_start3A = arith.constant 0 : i32
        %dma_start3A_20 = tpu.memref_slice %arg8[%add3A, %dma_start3A] : memref<32x10000xf32, #tpu.memory_space<hbm>> -> memref<1x10000xf32, #tpu.memory_space<hbm>>
        %dma_start3A_21 = tpu.memref_squeeze %dma_start3A_20 : memref<1x10000xf32, #tpu.memory_space<hbm>> -> memref<10000xf32, #tpu.memory_space<hbm>>
        %dma_start3A_22 = arith.constant 0 : i32
        %dma_start3A_23 = tpu.memref_slice %arg8[%add3A, %dma_start3A_22] : memref<32x10000xf32, #tpu.memory_space<hbm>> -> memref<1x10000xf32, #tpu.memory_space<hbm>>
        %dma_start3A_24 = tpu.memref_squeeze %dma_start3A_23 : memref<1x10000xf32, #tpu.memory_space<hbm>> -> memref<10000xf32, #tpu.memory_space<hbm>>
        tpu.enqueue_dma source(%run_scoped3A : memref<10000xf32, #tpu.memory_space<vmem>>) target(%dma_start3A_24 : memref<10000xf32, #tpu.memory_space<hbm>>) target_semaphore(%run_scoped3A_19 : memref<!tpu.dma_semaphore, #tpu.memory_space<semaphore_mem>>)
        %dma_wait3A = arith.constant 0 : i32
        %dma_wait3A_25 = tpu.memref_slice %arg8[%add3A, %dma_wait3A] : memref<32x10000xf32, #tpu.memory_space<hbm>> -> memref<1x10000xf32, #tpu.memory_space<hbm>>
        %dma_wait3A_26 = tpu.memref_squeeze %dma_wait3A_25 : memref<1x10000xf32, #tpu.memory_space<hbm>> -> memref<10000xf32, #tpu.memory_space<hbm>>
        %dma_wait3A_27 = arith.constant 0 : i32
        %dma_wait3A_28 = tpu.memref_slice %arg8[%add3A, %dma_wait3A_27] : memref<32x10000xf32, #tpu.memory_space<hbm>> -> memref<1x10000xf32, #tpu.memory_space<hbm>>
        %dma_wait3A_29 = tpu.memref_squeeze %dma_wait3A_28 : memref<1x10000xf32, #tpu.memory_space<hbm>> -> memref<10000xf32, #tpu.memory_space<hbm>>
        tpu.wait_dma2 semaphore(%run_scoped3A_19 : memref<!tpu.dma_semaphore, #tpu.memory_space<semaphore_mem>>) src(%run_scoped3A : memref<10000xf32, #tpu.memory_space<vmem>>) dst(%dma_wait3A_29 : memref<10000xf32, #tpu.memory_space<hbm>>)
        tpu.yield
      }) : () -> ()
      tpu.yield
    }) : () -> ()
    %barrier3A_7 = arith.constant 0 : index
    tpu.barrier barrier_id(%barrier3A_7)
    "tpu.region"() ({
      %run_scoped3A = tpu.sem_alloc : memref<!tpu.dma_semaphore, #tpu.memory_space<semaphore_mem>>
      %dma_start3A = arith.constant 0 : i32
      %dma_start3A_13 = tpu.memref_slice %arg7[%arg0, %mul3A_2, %dma_start3A] : memref<2x10000x128xf32, #tpu.memory_space<hbm>> -> memref<1x624x128xf32, #tpu.memory_space<hbm>>
      %dma_start3A_14 = tpu.memref_squeeze %dma_start3A_13 : memref<1x624x128xf32, #tpu.memory_space<hbm>> -> memref<624x128xf32, #tpu.memory_space<hbm>>
      %dma_start3A_15 = arith.constant 0 : i32
      %dma_start3A_16 = tpu.memref_slice %arg11[%mul3A_2, %dma_start3A_15] : memref<10000x128xf32, #tpu.memory_space<vmem_shared>> -> memref<624x128xf32, #tpu.memory_space<vmem_shared>>
      tpu.enqueue_dma source(%dma_start3A_16 : memref<624x128xf32, #tpu.memory_space<vmem_shared>>) target(%dma_start3A_14 : memref<624x128xf32, #tpu.memory_space<hbm>>) target_semaphore(%run_scoped3A : memref<!tpu.dma_semaphore, #tpu.memory_space<semaphore_mem>>)
      %dma_wait3A = arith.constant 0 : i32
      %dma_wait3A_17 = tpu.memref_slice %arg7[%arg0, %mul3A_2, %dma_wait3A] : memref<2x10000x128xf32, #tpu.memory_space<hbm>> -> memref<1x624x128xf32, #tpu.memory_space<hbm>>
      %dma_wait3A_18 = tpu.memref_squeeze %dma_wait3A_17 : memref<1x624x128xf32, #tpu.memory_space<hbm>> -> memref<624x128xf32, #tpu.memory_space<hbm>>
      %dma_wait3A_19 = arith.constant 0 : i32
      %dma_wait3A_20 = tpu.memref_slice %arg11[%mul3A_2, %dma_wait3A_19] : memref<10000x128xf32, #tpu.memory_space<vmem_shared>> -> memref<624x128xf32, #tpu.memory_space<vmem_shared>>
      tpu.wait_dma2 semaphore(%run_scoped3A : memref<!tpu.dma_semaphore, #tpu.memory_space<semaphore_mem>>) src(%dma_wait3A_20 : memref<624x128xf32, #tpu.memory_space<vmem_shared>>) dst(%dma_wait3A_18 : memref<624x128xf32, #tpu.memory_space<hbm>>)
      tpu.yield
    }) : () -> ()
    %eq3A_8 = arith.constant 15 : i32
    %eq3A_9 = arith.cmpi eq, %arg1, %eq3A_8 : i32
    %convert_element_type3A_10 = arith.extui %eq3A_9 : i1 to i32
    %cond3A_11 = arith.constant 0 : i32
    %cond3A_12 = arith.cmpi ne, %convert_element_type3A_10, %cond3A_11 : i32
    scf.if %cond3A_12 {
      "tpu.region"() ({
        %run_scoped3A = tpu.sem_alloc : memref<!tpu.dma_semaphore, #tpu.memory_space<semaphore_mem>>
        %dma_start3A = arith.constant 9984 : i32
        %dma_start3A_13 = arith.constant 0 : i32
        %dma_start3A_14 = tpu.memref_slice %arg7[%arg0, %dma_start3A, %dma_start3A_13] : memref<2x10000x128xf32, #tpu.memory_space<hbm>> -> memref<1x16x128xf32, #tpu.memory_space<hbm>>
        %dma_start3A_15 = tpu.memref_squeeze %dma_start3A_14 : memref<1x16x128xf32, #tpu.memory_space<hbm>> -> memref<16x128xf32, #tpu.memory_space<hbm>>
        %dma_start3A_16 = arith.constant 9984 : i32
        %dma_start3A_17 = arith.constant 0 : i32
        %dma_start3A_18 = tpu.memref_slice %arg11[%dma_start3A_16, %dma_start3A_17] : memref<10000x128xf32, #tpu.memory_space<vmem_shared>> -> memref<16x128xf32, #tpu.memory_space<vmem_shared>>
        tpu.enqueue_dma source(%dma_start3A_18 : memref<16x128xf32, #tpu.memory_space<vmem_shared>>) target(%dma_start3A_15 : memref<16x128xf32, #tpu.memory_space<hbm>>) target_semaphore(%run_scoped3A : memref<!tpu.dma_semaphore, #tpu.memory_space<semaphore_mem>>)
        %dma_wait3A = arith.constant 9984 : i32
        %dma_wait3A_19 = arith.constant 0 : i32
        %dma_wait3A_20 = tpu.memref_slice %arg7[%arg0, %dma_wait3A, %dma_wait3A_19] : memref<2x10000x128xf32, #tpu.memory_space<hbm>> -> memref<1x16x128xf32, #tpu.memory_space<hbm>>
        %dma_wait3A_21 = tpu.memref_squeeze %dma_wait3A_20 : memref<1x16x128xf32, #tpu.memory_space<hbm>> -> memref<16x128xf32, #tpu.memory_space<hbm>>
        %dma_wait3A_22 = arith.constant 9984 : i32
        %dma_wait3A_23 = arith.constant 0 : i32
        %dma_wait3A_24 = tpu.memref_slice %arg11[%dma_wait3A_22, %dma_wait3A_23] : memref<10000x128xf32, #tpu.memory_space<vmem_shared>> -> memref<16x128xf32, #tpu.memory_space<vmem_shared>>
        tpu.wait_dma2 semaphore(%run_scoped3A : memref<!tpu.dma_semaphore, #tpu.memory_space<semaphore_mem>>) src(%dma_wait3A_24 : memref<16x128xf32, #tpu.memory_space<vmem_shared>>) dst(%dma_wait3A_21 : memref<16x128xf32, #tpu.memory_space<hbm>>)
        tpu.yield
      }) : () -> ()
    } else {
    }
    return
  }
}

#map = affine_map<(d0, d1) -> (0)>
#map1 = affine_map<(d0, d1) -> (0, 0)>
module attributes {stable_mosaic.version = 14 : i64} {
  func.func @_gather_body(%arg0: i32, %arg1: i32, %arg2: memref<10240xi32, #tpu.memory_space<hbm>>, %arg3: memref<10000x128xf32, #tpu.memory_space<hbm>>, %arg4: memref<10240x128xf32, #tpu.memory_space<hbm>>, %arg5: memref<320xi32, #tpu.memory_space<vmem>>, %arg6: memref<4x80x128xf32, #tpu.memory_space<vmem>>, %arg7: memref<!tpu.dma_semaphore, #tpu.memory_space<semaphore_mem>>, %arg8: memref<!tpu.dma_semaphore, #tpu.memory_space<semaphore_mem>>, %arg9: memref<!tpu.dma_semaphore, #tpu.memory_space<semaphore_mem>>, %arg10: memref<!tpu.dma_semaphore, #tpu.memory_space<semaphore_mem>>) attributes {dimension_semantics = [#tpu.dimension_semantics<core_parallel>, #tpu.dimension_semantics<subcore_parallel>], iteration_bounds = array<i64: 2, 16>, scalar_prefetch = 0 : i64, scratch_operands = 6 : i64, tpu.core_type = #tpu.core_type<sc_vector_subcore>, window_params = [{transform_indices = #map}, {transform_indices = #map1}, {transform_indices = #map1}]} {
    %mul3A = arith.constant 2 : i32
    %mul3A_0 = arith.muli %arg1, %mul3A : i32
    %add3A = arith.addi %mul3A_0, %arg0 : i32
    %mul3A_1 = arith.constant 320 : i32
    %mul3A_2 = arith.muli %add3A, %mul3A_1 : i32
    "tpu.region"() ({
      %run_scoped3A_112 = tpu.sem_alloc : memref<!tpu.dma_semaphore, #tpu.memory_space<semaphore_mem>>
      %dma_start3A_113 = tpu.memref_slice %arg2[%mul3A_2] : memref<10240xi32, #tpu.memory_space<hbm>> -> memref<320xi32, #tpu.memory_space<hbm>>
      %dma_start3A_114 = tpu.memref_slice %arg2[%mul3A_2] : memref<10240xi32, #tpu.memory_space<hbm>> -> memref<320xi32, #tpu.memory_space<hbm>>
      tpu.enqueue_dma source(%dma_start3A_114 : memref<320xi32, #tpu.memory_space<hbm>>) target(%arg5 : memref<320xi32, #tpu.memory_space<vmem>>) target_semaphore(%run_scoped3A_112 : memref<!tpu.dma_semaphore, #tpu.memory_space<semaphore_mem>>)
      %dma_wait3A_115 = tpu.memref_slice %arg2[%mul3A_2] : memref<10240xi32, #tpu.memory_space<hbm>> -> memref<320xi32, #tpu.memory_space<hbm>>
      %dma_wait3A_116 = tpu.memref_slice %arg2[%mul3A_2] : memref<10240xi32, #tpu.memory_space<hbm>> -> memref<320xi32, #tpu.memory_space<hbm>>
      tpu.wait_dma2 semaphore(%run_scoped3A_112 : memref<!tpu.dma_semaphore, #tpu.memory_space<semaphore_mem>>) src(%dma_wait3A_116 : memref<320xi32, #tpu.memory_space<hbm>>) dst(%arg5 : memref<320xi32, #tpu.memory_space<vmem>>)
      tpu.yield
    }) : () -> ()
    %dma_start3A = arith.constant 0 : i32
    %dma_start3A_3 = arith.constant 0 : i32
    %dma_start3A_4 = arith.constant 0 : i32
    %dma_start3A_5 = tpu.memref_slice %arg6[%dma_start3A, %dma_start3A_3, %dma_start3A_4] : memref<4x80x128xf32, #tpu.memory_space<vmem>> -> memref<1x80x128xf32, #tpu.memory_space<vmem>>
    %dma_start3A_6 = tpu.memref_squeeze %dma_start3A_5 : memref<1x80x128xf32, #tpu.memory_space<vmem>> -> memref<80x128xf32, #tpu.memory_space<vmem>>
    %dma_start3A_7 = arith.constant 0 : i32
    %dma_start3A_8 = tpu.memref_slice %arg5[%dma_start3A_7] : memref<320xi32, #tpu.memory_space<vmem>> -> memref<80xi32, #tpu.memory_space<vmem>>
    %dma_start3A_9 = arith.constant 0 : i32
    %dma_start3A_10 = arith.constant 0 : i32
    %dma_start3A_11 = tpu.memref_slice %arg3[%dma_start3A_9, %dma_start3A_10] : memref<10000x128xf32, #tpu.memory_space<hbm>> -> memref<10000x128xf32, #tpu.memory_space<hbm>>
    tpu.enqueue_indirect_dma source(%dma_start3A_11 : memref<10000x128xf32, #tpu.memory_space<hbm>>) target(%dma_start3A_6 : memref<80x128xf32, #tpu.memory_space<vmem>>) offsets(%dma_start3A_8 : memref<80xi32, #tpu.memory_space<vmem>>) semaphore(%arg7 : memref<!tpu.dma_semaphore, #tpu.memory_space<semaphore_mem>>)
    %dma_start3A_12 = arith.constant 1 : i32
    %dma_start3A_13 = arith.constant 0 : i32
    %dma_start3A_14 = arith.constant 0 : i32
    %dma_start3A_15 = tpu.memref_slice %arg6[%dma_start3A_12, %dma_start3A_13, %dma_start3A_14] : memref<4x80x128xf32, #tpu.memory_space<vmem>> -> memref<1x80x128xf32, #tpu.memory_space<vmem>>
    %dma_start3A_16 = tpu.memref_squeeze %dma_start3A_15 : memref<1x80x128xf32, #tpu.memory_space<vmem>> -> memref<80x128xf32, #tpu.memory_space<vmem>>
    %dma_start3A_17 = arith.constant 80 : i32
    %dma_start3A_18 = tpu.memref_slice %arg5[%dma_start3A_17] : memref<320xi32, #tpu.memory_space<vmem>> -> memref<80xi32, #tpu.memory_space<vmem>>
    %dma_start3A_19 = arith.constant 0 : i32
    %dma_start3A_20 = arith.constant 0 : i32
    %dma_start3A_21 = tpu.memref_slice %arg3[%dma_start3A_19, %dma_start3A_20] : memref<10000x128xf32, #tpu.memory_space<hbm>> -> memref<10000x128xf32, #tpu.memory_space<hbm>>
    tpu.enqueue_indirect_dma source(%dma_start3A_21 : memref<10000x128xf32, #tpu.memory_space<hbm>>) target(%dma_start3A_16 : memref<80x128xf32, #tpu.memory_space<vmem>>) offsets(%dma_start3A_18 : memref<80xi32, #tpu.memory_space<vmem>>) semaphore(%arg8 : memref<!tpu.dma_semaphore, #tpu.memory_space<semaphore_mem>>)
    %dma_start3A_22 = arith.constant 2 : i32
    %dma_start3A_23 = arith.constant 0 : i32
    %dma_start3A_24 = arith.constant 0 : i32
    %dma_start3A_25 = tpu.memref_slice %arg6[%dma_start3A_22, %dma_start3A_23, %dma_start3A_24] : memref<4x80x128xf32, #tpu.memory_space<vmem>> -> memref<1x80x128xf32, #tpu.memory_space<vmem>>
    %dma_start3A_26 = tpu.memref_squeeze %dma_start3A_25 : memref<1x80x128xf32, #tpu.memory_space<vmem>> -> memref<80x128xf32, #tpu.memory_space<vmem>>
    %dma_start3A_27 = arith.constant 160 : i32
    %dma_start3A_28 = tpu.memref_slice %arg5[%dma_start3A_27] : memref<320xi32, #tpu.memory_space<vmem>> -> memref<80xi32, #tpu.memory_space<vmem>>
    %dma_start3A_29 = arith.constant 0 : i32
    %dma_start3A_30 = arith.constant 0 : i32
    %dma_start3A_31 = tpu.memref_slice %arg3[%dma_start3A_29, %dma_start3A_30] : memref<10000x128xf32, #tpu.memory_space<hbm>> -> memref<10000x128xf32, #tpu.memory_space<hbm>>
    tpu.enqueue_indirect_dma source(%dma_start3A_31 : memref<10000x128xf32, #tpu.memory_space<hbm>>) target(%dma_start3A_26 : memref<80x128xf32, #tpu.memory_space<vmem>>) offsets(%dma_start3A_28 : memref<80xi32, #tpu.memory_space<vmem>>) semaphore(%arg9 : memref<!tpu.dma_semaphore, #tpu.memory_space<semaphore_mem>>)
    %dma_start3A_32 = arith.constant 3 : i32
    %dma_start3A_33 = arith.constant 0 : i32
    %dma_start3A_34 = arith.constant 0 : i32
    %dma_start3A_35 = tpu.memref_slice %arg6[%dma_start3A_32, %dma_start3A_33, %dma_start3A_34] : memref<4x80x128xf32, #tpu.memory_space<vmem>> -> memref<1x80x128xf32, #tpu.memory_space<vmem>>
    %dma_start3A_36 = tpu.memref_squeeze %dma_start3A_35 : memref<1x80x128xf32, #tpu.memory_space<vmem>> -> memref<80x128xf32, #tpu.memory_space<vmem>>
    %dma_start3A_37 = arith.constant 240 : i32
    %dma_start3A_38 = tpu.memref_slice %arg5[%dma_start3A_37] : memref<320xi32, #tpu.memory_space<vmem>> -> memref<80xi32, #tpu.memory_space<vmem>>
    %dma_start3A_39 = arith.constant 0 : i32
    %dma_start3A_40 = arith.constant 0 : i32
    %dma_start3A_41 = tpu.memref_slice %arg3[%dma_start3A_39, %dma_start3A_40] : memref<10000x128xf32, #tpu.memory_space<hbm>> -> memref<10000x128xf32, #tpu.memory_space<hbm>>
    tpu.enqueue_indirect_dma source(%dma_start3A_41 : memref<10000x128xf32, #tpu.memory_space<hbm>>) target(%dma_start3A_36 : memref<80x128xf32, #tpu.memory_space<vmem>>) offsets(%dma_start3A_38 : memref<80xi32, #tpu.memory_space<vmem>>) semaphore(%arg10 : memref<!tpu.dma_semaphore, #tpu.memory_space<semaphore_mem>>)
    %dma_wait3A = arith.constant 0 : i32
    %dma_wait3A_42 = arith.constant 0 : i32
    %dma_wait3A_43 = arith.constant 0 : i32
    %dma_wait3A_44 = tpu.memref_slice %arg6[%dma_wait3A, %dma_wait3A_42, %dma_wait3A_43] : memref<4x80x128xf32, #tpu.memory_space<vmem>> -> memref<1x80x128xf32, #tpu.memory_space<vmem>>
    %dma_wait3A_45 = tpu.memref_squeeze %dma_wait3A_44 : memref<1x80x128xf32, #tpu.memory_space<vmem>> -> memref<80x128xf32, #tpu.memory_space<vmem>>
    %dma_wait3A_46 = arith.constant 0 : i32
    %dma_wait3A_47 = arith.constant 0 : i32
    %dma_wait3A_48 = tpu.memref_slice %arg3[%dma_wait3A_46, %dma_wait3A_47] : memref<10000x128xf32, #tpu.memory_space<hbm>> -> memref<80x128xf32, #tpu.memory_space<hbm>>
    %dma_wait3A_49 = arith.constant 0 : i32
    %dma_wait3A_50 = arith.constant 0 : i32
    %dma_wait3A_51 = tpu.memref_slice %arg6[%dma_wait3A, %dma_wait3A_49, %dma_wait3A_50] : memref<4x80x128xf32, #tpu.memory_space<vmem>> -> memref<1x80x128xf32, #tpu.memory_space<vmem>>
    %dma_wait3A_52 = tpu.memref_squeeze %dma_wait3A_51 : memref<1x80x128xf32, #tpu.memory_space<vmem>> -> memref<80x128xf32, #tpu.memory_space<vmem>>
    %dma_wait3A_53 = arith.constant 0 : i32
    %dma_wait3A_54 = arith.constant 0 : i32
    %dma_wait3A_55 = tpu.memref_slice %arg3[%dma_wait3A_53, %dma_wait3A_54] : memref<10000x128xf32, #tpu.memory_space<hbm>> -> memref<80x128xf32, #tpu.memory_space<hbm>>
    tpu.wait_dma2 semaphore(%arg7 : memref<!tpu.dma_semaphore, #tpu.memory_space<semaphore_mem>>) src(%dma_wait3A_55 : memref<80x128xf32, #tpu.memory_space<hbm>>) dst(%dma_wait3A_52 : memref<80x128xf32, #tpu.memory_space<vmem>>)
    %add3A_56 = arith.constant 0 : i32
    %add3A_57 = arith.addi %mul3A_2, %add3A_56 : i32
    %run_scoped3A = arith.constant 0 : i32
    "tpu.region"() ({
      %run_scoped3A_112 = tpu.sem_alloc : memref<!tpu.dma_semaphore, #tpu.memory_space<semaphore_mem>>
      %dma_start3A_113 = arith.constant 0 : i32
      %dma_start3A_114 = arith.constant 0 : i32
      %dma_start3A_115 = tpu.memref_slice %arg6[%run_scoped3A, %dma_start3A_113, %dma_start3A_114] : memref<4x80x128xf32, #tpu.memory_space<vmem>> -> memref<1x80x128xf32, #tpu.memory_space<vmem>>
      %dma_start3A_116 = tpu.memref_squeeze %dma_start3A_115 : memref<1x80x128xf32, #tpu.memory_space<vmem>> -> memref<80x128xf32, #tpu.memory_space<vmem>>
      %dma_start3A_117 = arith.constant 0 : i32
      %dma_start3A_118 = tpu.memref_slice %arg4[%add3A_57, %dma_start3A_117] : memref<10240x128xf32, #tpu.memory_space<hbm>> -> memref<80x128xf32, #tpu.memory_space<hbm>>
      %dma_start3A_119 = arith.constant 0 : i32
      %dma_start3A_120 = tpu.memref_slice %arg4[%add3A_57, %dma_start3A_119] : memref<10240x128xf32, #tpu.memory_space<hbm>> -> memref<80x128xf32, #tpu.memory_space<hbm>>
      %dma_start3A_121 = arith.constant 0 : i32
      %dma_start3A_122 = arith.constant 0 : i32
      %dma_start3A_123 = tpu.memref_slice %arg6[%run_scoped3A, %dma_start3A_121, %dma_start3A_122] : memref<4x80x128xf32, #tpu.memory_space<vmem>> -> memref<1x80x128xf32, #tpu.memory_space<vmem>>
      %dma_start3A_124 = tpu.memref_squeeze %dma_start3A_123 : memref<1x80x128xf32, #tpu.memory_space<vmem>> -> memref<80x128xf32, #tpu.memory_space<vmem>>
      tpu.enqueue_dma source(%dma_start3A_124 : memref<80x128xf32, #tpu.memory_space<vmem>>) target(%dma_start3A_120 : memref<80x128xf32, #tpu.memory_space<hbm>>) target_semaphore(%run_scoped3A_112 : memref<!tpu.dma_semaphore, #tpu.memory_space<semaphore_mem>>)
      %dma_wait3A_125 = arith.constant 0 : i32
      %dma_wait3A_126 = arith.constant 0 : i32
      %dma_wait3A_127 = tpu.memref_slice %arg6[%run_scoped3A, %dma_wait3A_125, %dma_wait3A_126] : memref<4x80x128xf32, #tpu.memory_space<vmem>> -> memref<1x80x128xf32, #tpu.memory_space<vmem>>
      %dma_wait3A_128 = tpu.memref_squeeze %dma_wait3A_127 : memref<1x80x128xf32, #tpu.memory_space<vmem>> -> memref<80x128xf32, #tpu.memory_space<vmem>>
      %dma_wait3A_129 = arith.constant 0 : i32
      %dma_wait3A_130 = tpu.memref_slice %arg4[%add3A_57, %dma_wait3A_129] : memref<10240x128xf32, #tpu.memory_space<hbm>> -> memref<80x128xf32, #tpu.memory_space<hbm>>
      %dma_wait3A_131 = arith.constant 0 : i32
      %dma_wait3A_132 = tpu.memref_slice %arg4[%add3A_57, %dma_wait3A_131] : memref<10240x128xf32, #tpu.memory_space<hbm>> -> memref<80x128xf32, #tpu.memory_space<hbm>>
      %dma_wait3A_133 = arith.constant 0 : i32
      %dma_wait3A_134 = arith.constant 0 : i32
      %dma_wait3A_135 = tpu.memref_slice %arg6[%run_scoped3A, %dma_wait3A_133, %dma_wait3A_134] : memref<4x80x128xf32, #tpu.memory_space<vmem>> -> memref<1x80x128xf32, #tpu.memory_space<vmem>>
      %dma_wait3A_136 = tpu.memref_squeeze %dma_wait3A_135 : memref<1x80x128xf32, #tpu.memory_space<vmem>> -> memref<80x128xf32, #tpu.memory_space<vmem>>
      tpu.wait_dma2 semaphore(%run_scoped3A_112 : memref<!tpu.dma_semaphore, #tpu.memory_space<semaphore_mem>>) src(%dma_wait3A_136 : memref<80x128xf32, #tpu.memory_space<vmem>>) dst(%dma_wait3A_132 : memref<80x128xf32, #tpu.memory_space<hbm>>)
      tpu.yield
    }) : () -> ()
    %dma_wait3A_58 = arith.constant 1 : i32
    %dma_wait3A_59 = arith.constant 0 : i32
    %dma_wait3A_60 = arith.constant 0 : i32
    %dma_wait3A_61 = tpu.memref_slice %arg6[%dma_wait3A_58, %dma_wait3A_59, %dma_wait3A_60] : memref<4x80x128xf32, #tpu.memory_space<vmem>> -> memref<1x80x128xf32, #tpu.memory_space<vmem>>
    %dma_wait3A_62 = tpu.memref_squeeze %dma_wait3A_61 : memref<1x80x128xf32, #tpu.memory_space<vmem>> -> memref<80x128xf32, #tpu.memory_space<vmem>>
    %dma_wait3A_63 = arith.constant 0 : i32
    %dma_wait3A_64 = arith.constant 0 : i32
    %dma_wait3A_65 = tpu.memref_slice %arg3[%dma_wait3A_63, %dma_wait3A_64] : memref<10000x128xf32, #tpu.memory_space<hbm>> -> memref<80x128xf32, #tpu.memory_space<hbm>>
    %dma_wait3A_66 = arith.constant 0 : i32
    %dma_wait3A_67 = arith.constant 0 : i32
    %dma_wait3A_68 = tpu.memref_slice %arg6[%dma_wait3A_58, %dma_wait3A_66, %dma_wait3A_67] : memref<4x80x128xf32, #tpu.memory_space<vmem>> -> memref<1x80x128xf32, #tpu.memory_space<vmem>>
    %dma_wait3A_69 = tpu.memref_squeeze %dma_wait3A_68 : memref<1x80x128xf32, #tpu.memory_space<vmem>> -> memref<80x128xf32, #tpu.memory_space<vmem>>
    %dma_wait3A_70 = arith.constant 0 : i32
    %dma_wait3A_71 = arith.constant 0 : i32
    %dma_wait3A_72 = tpu.memref_slice %arg3[%dma_wait3A_70, %dma_wait3A_71] : memref<10000x128xf32, #tpu.memory_space<hbm>> -> memref<80x128xf32, #tpu.memory_space<hbm>>
    tpu.wait_dma2 semaphore(%arg8 : memref<!tpu.dma_semaphore, #tpu.memory_space<semaphore_mem>>) src(%dma_wait3A_72 : memref<80x128xf32, #tpu.memory_space<hbm>>) dst(%dma_wait3A_69 : memref<80x128xf32, #tpu.memory_space<vmem>>)
    %add3A_73 = arith.constant 80 : i32
    %add3A_74 = arith.addi %mul3A_2, %add3A_73 : i32
    %run_scoped3A_75 = arith.constant 1 : i32
    "tpu.region"() ({
      %run_scoped3A_112 = tpu.sem_alloc : memref<!tpu.dma_semaphore, #tpu.memory_space<semaphore_mem>>
      %dma_start3A_113 = arith.constant 0 : i32
      %dma_start3A_114 = arith.constant 0 : i32
      %dma_start3A_115 = tpu.memref_slice %arg6[%run_scoped3A_75, %dma_start3A_113, %dma_start3A_114] : memref<4x80x128xf32, #tpu.memory_space<vmem>> -> memref<1x80x128xf32, #tpu.memory_space<vmem>>
      %dma_start3A_116 = tpu.memref_squeeze %dma_start3A_115 : memref<1x80x128xf32, #tpu.memory_space<vmem>> -> memref<80x128xf32, #tpu.memory_space<vmem>>
      %dma_start3A_117 = arith.constant 0 : i32
      %dma_start3A_118 = tpu.memref_slice %arg4[%add3A_74, %dma_start3A_117] : memref<10240x128xf32, #tpu.memory_space<hbm>> -> memref<80x128xf32, #tpu.memory_space<hbm>>
      %dma_start3A_119 = arith.constant 0 : i32
      %dma_start3A_120 = tpu.memref_slice %arg4[%add3A_74, %dma_start3A_119] : memref<10240x128xf32, #tpu.memory_space<hbm>> -> memref<80x128xf32, #tpu.memory_space<hbm>>
      %dma_start3A_121 = arith.constant 0 : i32
      %dma_start3A_122 = arith.constant 0 : i32
      %dma_start3A_123 = tpu.memref_slice %arg6[%run_scoped3A_75, %dma_start3A_121, %dma_start3A_122] : memref<4x80x128xf32, #tpu.memory_space<vmem>> -> memref<1x80x128xf32, #tpu.memory_space<vmem>>
      %dma_start3A_124 = tpu.memref_squeeze %dma_start3A_123 : memref<1x80x128xf32, #tpu.memory_space<vmem>> -> memref<80x128xf32, #tpu.memory_space<vmem>>
      tpu.enqueue_dma source(%dma_start3A_124 : memref<80x128xf32, #tpu.memory_space<vmem>>) target(%dma_start3A_120 : memref<80x128xf32, #tpu.memory_space<hbm>>) target_semaphore(%run_scoped3A_112 : memref<!tpu.dma_semaphore, #tpu.memory_space<semaphore_mem>>)
      %dma_wait3A_125 = arith.constant 0 : i32
      %dma_wait3A_126 = arith.constant 0 : i32
      %dma_wait3A_127 = tpu.memref_slice %arg6[%run_scoped3A_75, %dma_wait3A_125, %dma_wait3A_126] : memref<4x80x128xf32, #tpu.memory_space<vmem>> -> memref<1x80x128xf32, #tpu.memory_space<vmem>>
      %dma_wait3A_128 = tpu.memref_squeeze %dma_wait3A_127 : memref<1x80x128xf32, #tpu.memory_space<vmem>> -> memref<80x128xf32, #tpu.memory_space<vmem>>
      %dma_wait3A_129 = arith.constant 0 : i32
      %dma_wait3A_130 = tpu.memref_slice %arg4[%add3A_74, %dma_wait3A_129] : memref<10240x128xf32, #tpu.memory_space<hbm>> -> memref<80x128xf32, #tpu.memory_space<hbm>>
      %dma_wait3A_131 = arith.constant 0 : i32
      %dma_wait3A_132 = tpu.memref_slice %arg4[%add3A_74, %dma_wait3A_131] : memref<10240x128xf32, #tpu.memory_space<hbm>> -> memref<80x128xf32, #tpu.memory_space<hbm>>
      %dma_wait3A_133 = arith.constant 0 : i32
      %dma_wait3A_134 = arith.constant 0 : i32
      %dma_wait3A_135 = tpu.memref_slice %arg6[%run_scoped3A_75, %dma_wait3A_133, %dma_wait3A_134] : memref<4x80x128xf32, #tpu.memory_space<vmem>> -> memref<1x80x128xf32, #tpu.memory_space<vmem>>
      %dma_wait3A_136 = tpu.memref_squeeze %dma_wait3A_135 : memref<1x80x128xf32, #tpu.memory_space<vmem>> -> memref<80x128xf32, #tpu.memory_space<vmem>>
      tpu.wait_dma2 semaphore(%run_scoped3A_112 : memref<!tpu.dma_semaphore, #tpu.memory_space<semaphore_mem>>) src(%dma_wait3A_136 : memref<80x128xf32, #tpu.memory_space<vmem>>) dst(%dma_wait3A_132 : memref<80x128xf32, #tpu.memory_space<hbm>>)
      tpu.yield
    }) : () -> ()
    %dma_wait3A_76 = arith.constant 2 : i32
    %dma_wait3A_77 = arith.constant 0 : i32
    %dma_wait3A_78 = arith.constant 0 : i32
    %dma_wait3A_79 = tpu.memref_slice %arg6[%dma_wait3A_76, %dma_wait3A_77, %dma_wait3A_78] : memref<4x80x128xf32, #tpu.memory_space<vmem>> -> memref<1x80x128xf32, #tpu.memory_space<vmem>>
    %dma_wait3A_80 = tpu.memref_squeeze %dma_wait3A_79 : memref<1x80x128xf32, #tpu.memory_space<vmem>> -> memref<80x128xf32, #tpu.memory_space<vmem>>
    %dma_wait3A_81 = arith.constant 0 : i32
    %dma_wait3A_82 = arith.constant 0 : i32
    %dma_wait3A_83 = tpu.memref_slice %arg3[%dma_wait3A_81, %dma_wait3A_82] : memref<10000x128xf32, #tpu.memory_space<hbm>> -> memref<80x128xf32, #tpu.memory_space<hbm>>
    %dma_wait3A_84 = arith.constant 0 : i32
    %dma_wait3A_85 = arith.constant 0 : i32
    %dma_wait3A_86 = tpu.memref_slice %arg6[%dma_wait3A_76, %dma_wait3A_84, %dma_wait3A_85] : memref<4x80x128xf32, #tpu.memory_space<vmem>> -> memref<1x80x128xf32, #tpu.memory_space<vmem>>
    %dma_wait3A_87 = tpu.memref_squeeze %dma_wait3A_86 : memref<1x80x128xf32, #tpu.memory_space<vmem>> -> memref<80x128xf32, #tpu.memory_space<vmem>>
    %dma_wait3A_88 = arith.constant 0 : i32
    %dma_wait3A_89 = arith.constant 0 : i32
    %dma_wait3A_90 = tpu.memref_slice %arg3[%dma_wait3A_88, %dma_wait3A_89] : memref<10000x128xf32, #tpu.memory_space<hbm>> -> memref<80x128xf32, #tpu.memory_space<hbm>>
    tpu.wait_dma2 semaphore(%arg9 : memref<!tpu.dma_semaphore, #tpu.memory_space<semaphore_mem>>) src(%dma_wait3A_90 : memref<80x128xf32, #tpu.memory_space<hbm>>) dst(%dma_wait3A_87 : memref<80x128xf32, #tpu.memory_space<vmem>>)
    %add3A_91 = arith.constant 160 : i32
    %add3A_92 = arith.addi %mul3A_2, %add3A_91 : i32
    %run_scoped3A_93 = arith.constant 2 : i32
    "tpu.region"() ({
      %run_scoped3A_112 = tpu.sem_alloc : memref<!tpu.dma_semaphore, #tpu.memory_space<semaphore_mem>>
      %dma_start3A_113 = arith.constant 0 : i32
      %dma_start3A_114 = arith.constant 0 : i32
      %dma_start3A_115 = tpu.memref_slice %arg6[%run_scoped3A_93, %dma_start3A_113, %dma_start3A_114] : memref<4x80x128xf32, #tpu.memory_space<vmem>> -> memref<1x80x128xf32, #tpu.memory_space<vmem>>
      %dma_start3A_116 = tpu.memref_squeeze %dma_start3A_115 : memref<1x80x128xf32, #tpu.memory_space<vmem>> -> memref<80x128xf32, #tpu.memory_space<vmem>>
      %dma_start3A_117 = arith.constant 0 : i32
      %dma_start3A_118 = tpu.memref_slice %arg4[%add3A_92, %dma_start3A_117] : memref<10240x128xf32, #tpu.memory_space<hbm>> -> memref<80x128xf32, #tpu.memory_space<hbm>>
      %dma_start3A_119 = arith.constant 0 : i32
      %dma_start3A_120 = tpu.memref_slice %arg4[%add3A_92, %dma_start3A_119] : memref<10240x128xf32, #tpu.memory_space<hbm>> -> memref<80x128xf32, #tpu.memory_space<hbm>>
      %dma_start3A_121 = arith.constant 0 : i32
      %dma_start3A_122 = arith.constant 0 : i32
      %dma_start3A_123 = tpu.memref_slice %arg6[%run_scoped3A_93, %dma_start3A_121, %dma_start3A_122] : memref<4x80x128xf32, #tpu.memory_space<vmem>> -> memref<1x80x128xf32, #tpu.memory_space<vmem>>
      %dma_start3A_124 = tpu.memref_squeeze %dma_start3A_123 : memref<1x80x128xf32, #tpu.memory_space<vmem>> -> memref<80x128xf32, #tpu.memory_space<vmem>>
      tpu.enqueue_dma source(%dma_start3A_124 : memref<80x128xf32, #tpu.memory_space<vmem>>) target(%dma_start3A_120 : memref<80x128xf32, #tpu.memory_space<hbm>>) target_semaphore(%run_scoped3A_112 : memref<!tpu.dma_semaphore, #tpu.memory_space<semaphore_mem>>)
      %dma_wait3A_125 = arith.constant 0 : i32
      %dma_wait3A_126 = arith.constant 0 : i32
      %dma_wait3A_127 = tpu.memref_slice %arg6[%run_scoped3A_93, %dma_wait3A_125, %dma_wait3A_126] : memref<4x80x128xf32, #tpu.memory_space<vmem>> -> memref<1x80x128xf32, #tpu.memory_space<vmem>>
      %dma_wait3A_128 = tpu.memref_squeeze %dma_wait3A_127 : memref<1x80x128xf32, #tpu.memory_space<vmem>> -> memref<80x128xf32, #tpu.memory_space<vmem>>
      %dma_wait3A_129 = arith.constant 0 : i32
      %dma_wait3A_130 = tpu.memref_slice %arg4[%add3A_92, %dma_wait3A_129] : memref<10240x128xf32, #tpu.memory_space<hbm>> -> memref<80x128xf32, #tpu.memory_space<hbm>>
      %dma_wait3A_131 = arith.constant 0 : i32
      %dma_wait3A_132 = tpu.memref_slice %arg4[%add3A_92, %dma_wait3A_131] : memref<10240x128xf32, #tpu.memory_space<hbm>> -> memref<80x128xf32, #tpu.memory_space<hbm>>
      %dma_wait3A_133 = arith.constant 0 : i32
      %dma_wait3A_134 = arith.constant 0 : i32
      %dma_wait3A_135 = tpu.memref_slice %arg6[%run_scoped3A_93, %dma_wait3A_133, %dma_wait3A_134] : memref<4x80x128xf32, #tpu.memory_space<vmem>> -> memref<1x80x128xf32, #tpu.memory_space<vmem>>
      %dma_wait3A_136 = tpu.memref_squeeze %dma_wait3A_135 : memref<1x80x128xf32, #tpu.memory_space<vmem>> -> memref<80x128xf32, #tpu.memory_space<vmem>>
      tpu.wait_dma2 semaphore(%run_scoped3A_112 : memref<!tpu.dma_semaphore, #tpu.memory_space<semaphore_mem>>) src(%dma_wait3A_136 : memref<80x128xf32, #tpu.memory_space<vmem>>) dst(%dma_wait3A_132 : memref<80x128xf32, #tpu.memory_space<hbm>>)
      tpu.yield
    }) : () -> ()
    %dma_wait3A_94 = arith.constant 3 : i32
    %dma_wait3A_95 = arith.constant 0 : i32
    %dma_wait3A_96 = arith.constant 0 : i32
    %dma_wait3A_97 = tpu.memref_slice %arg6[%dma_wait3A_94, %dma_wait3A_95, %dma_wait3A_96] : memref<4x80x128xf32, #tpu.memory_space<vmem>> -> memref<1x80x128xf32, #tpu.memory_space<vmem>>
    %dma_wait3A_98 = tpu.memref_squeeze %dma_wait3A_97 : memref<1x80x128xf32, #tpu.memory_space<vmem>> -> memref<80x128xf32, #tpu.memory_space<vmem>>
    %dma_wait3A_99 = arith.constant 0 : i32
    %dma_wait3A_100 = arith.constant 0 : i32
    %dma_wait3A_101 = tpu.memref_slice %arg3[%dma_wait3A_99, %dma_wait3A_100] : memref<10000x128xf32, #tpu.memory_space<hbm>> -> memref<80x128xf32, #tpu.memory_space<hbm>>
    %dma_wait3A_102 = arith.constant 0 : i32
    %dma_wait3A_103 = arith.constant 0 : i32
    %dma_wait3A_104 = tpu.memref_slice %arg6[%dma_wait3A_94, %dma_wait3A_102, %dma_wait3A_103] : memref<4x80x128xf32, #tpu.memory_space<vmem>> -> memref<1x80x128xf32, #tpu.memory_space<vmem>>
    %dma_wait3A_105 = tpu.memref_squeeze %dma_wait3A_104 : memref<1x80x128xf32, #tpu.memory_space<vmem>> -> memref<80x128xf32, #tpu.memory_space<vmem>>
    %dma_wait3A_106 = arith.constant 0 : i32
    %dma_wait3A_107 = arith.constant 0 : i32
    %dma_wait3A_108 = tpu.memref_slice %arg3[%dma_wait3A_106, %dma_wait3A_107] : memref<10000x128xf32, #tpu.memory_space<hbm>> -> memref<80x128xf32, #tpu.memory_space<hbm>>
    tpu.wait_dma2 semaphore(%arg10 : memref<!tpu.dma_semaphore, #tpu.memory_space<semaphore_mem>>) src(%dma_wait3A_108 : memref<80x128xf32, #tpu.memory_space<hbm>>) dst(%dma_wait3A_105 : memref<80x128xf32, #tpu.memory_space<vmem>>)
    %add3A_109 = arith.constant 240 : i32
    %add3A_110 = arith.addi %mul3A_2, %add3A_109 : i32
    %run_scoped3A_111 = arith.constant 3 : i32
    "tpu.region"() ({
      %run_scoped3A_112 = tpu.sem_alloc : memref<!tpu.dma_semaphore, #tpu.memory_space<semaphore_mem>>
      %dma_start3A_113 = arith.constant 0 : i32
      %dma_start3A_114 = arith.constant 0 : i32
      %dma_start3A_115 = tpu.memref_slice %arg6[%run_scoped3A_111, %dma_start3A_113, %dma_start3A_114] : memref<4x80x128xf32, #tpu.memory_space<vmem>> -> memref<1x80x128xf32, #tpu.memory_space<vmem>>
      %dma_start3A_116 = tpu.memref_squeeze %dma_start3A_115 : memref<1x80x128xf32, #tpu.memory_space<vmem>> -> memref<80x128xf32, #tpu.memory_space<vmem>>
      %dma_start3A_117 = arith.constant 0 : i32
      %dma_start3A_118 = tpu.memref_slice %arg4[%add3A_110, %dma_start3A_117] : memref<10240x128xf32, #tpu.memory_space<hbm>> -> memref<80x128xf32, #tpu.memory_space<hbm>>
      %dma_start3A_119 = arith.constant 0 : i32
      %dma_start3A_120 = tpu.memref_slice %arg4[%add3A_110, %dma_start3A_119] : memref<10240x128xf32, #tpu.memory_space<hbm>> -> memref<80x128xf32, #tpu.memory_space<hbm>>
      %dma_start3A_121 = arith.constant 0 : i32
      %dma_start3A_122 = arith.constant 0 : i32
      %dma_start3A_123 = tpu.memref_slice %arg6[%run_scoped3A_111, %dma_start3A_121, %dma_start3A_122] : memref<4x80x128xf32, #tpu.memory_space<vmem>> -> memref<1x80x128xf32, #tpu.memory_space<vmem>>
      %dma_start3A_124 = tpu.memref_squeeze %dma_start3A_123 : memref<1x80x128xf32, #tpu.memory_space<vmem>> -> memref<80x128xf32, #tpu.memory_space<vmem>>
      tpu.enqueue_dma source(%dma_start3A_124 : memref<80x128xf32, #tpu.memory_space<vmem>>) target(%dma_start3A_120 : memref<80x128xf32, #tpu.memory_space<hbm>>) target_semaphore(%run_scoped3A_112 : memref<!tpu.dma_semaphore, #tpu.memory_space<semaphore_mem>>)
      %dma_wait3A_125 = arith.constant 0 : i32
      %dma_wait3A_126 = arith.constant 0 : i32
      %dma_wait3A_127 = tpu.memref_slice %arg6[%run_scoped3A_111, %dma_wait3A_125, %dma_wait3A_126] : memref<4x80x128xf32, #tpu.memory_space<vmem>> -> memref<1x80x128xf32, #tpu.memory_space<vmem>>
      %dma_wait3A_128 = tpu.memref_squeeze %dma_wait3A_127 : memref<1x80x128xf32, #tpu.memory_space<vmem>> -> memref<80x128xf32, #tpu.memory_space<vmem>>
      %dma_wait3A_129 = arith.constant 0 : i32
      %dma_wait3A_130 = tpu.memref_slice %arg4[%add3A_110, %dma_wait3A_129] : memref<10240x128xf32, #tpu.memory_space<hbm>> -> memref<80x128xf32, #tpu.memory_space<hbm>>
      %dma_wait3A_131 = arith.constant 0 : i32
      %dma_wait3A_132 = tpu.memref_slice %arg4[%add3A_110, %dma_wait3A_131] : memref<10240x128xf32, #tpu.memory_space<hbm>> -> memref<80x128xf32, #tpu.memory_space<hbm>>
      %dma_wait3A_133 = arith.constant 0 : i32
      %dma_wait3A_134 = arith.constant 0 : i32
      %dma_wait3A_135 = tpu.memref_slice %arg6[%run_scoped3A_111, %dma_wait3A_133, %dma_wait3A_134] : memref<4x80x128xf32, #tpu.memory_space<vmem>> -> memref<1x80x128xf32, #tpu.memory_space<vmem>>
      %dma_wait3A_136 = tpu.memref_squeeze %dma_wait3A_135 : memref<1x80x128xf32, #tpu.memory_space<vmem>> -> memref<80x128xf32, #tpu.memory_space<vmem>>
      tpu.wait_dma2 semaphore(%run_scoped3A_112 : memref<!tpu.dma_semaphore, #tpu.memory_space<semaphore_mem>>) src(%dma_wait3A_136 : memref<80x128xf32, #tpu.memory_space<vmem>>) dst(%dma_wait3A_132 : memref<80x128xf32, #tpu.memory_space<hbm>>)
      tpu.yield
    }) : () -> ()
    return
  }
}

module attributes {stable_mosaic.version = 14 : i64} {
  func.func @_dense_body(%arg0: i32, %arg1: memref<1000x128xf32, #tpu.memory_space<vmem>>, %arg2: memref<2x1000x128xf32, #tpu.memory_space<vmem>>, %arg3: memref<1000x32xf32, #tpu.memory_space<vmem>>, %arg4: memref<256x128xf32, #tpu.memory_space<vmem>>, %arg5: memref<256x128xf32, #tpu.memory_space<vmem>>, %arg6: memref<128x256xf32, #tpu.memory_space<vmem>>, %arg7: memref<1000x128xf32, #tpu.memory_space<vmem>>) attributes {dimension_semantics = [#tpu.dimension_semantics<arbitrary>], iteration_bounds = array<i64: 10>, scalar_prefetch = 0 : i64, scratch_operands = 0 : i64, tpu.core_type = #tpu.core_type<tc>, window_params = [{transform_indices = @transform_0, window_bounds = array<i64: 1000, 128>}, {transform_indices = @transform_1, window_bounds = array<i64: 2, 1000, 128>}, {transform_indices = @transform_2, window_bounds = array<i64: 1000, 32>}, {pipeline_mode = #tpu.pipeline_mode<synchronous>, transform_indices = @transform_3, window_bounds = array<i64: 256, 128>}, {pipeline_mode = #tpu.pipeline_mode<synchronous>, transform_indices = @transform_4, window_bounds = array<i64: 256, 128>}, {pipeline_mode = #tpu.pipeline_mode<synchronous>, transform_indices = @transform_5, window_bounds = array<i64: 128, 256>}, {transform_indices = @transform_6, window_bounds = array<i64: 1000, 128>}]} {
    %get3A = arith.constant 0 : index
    %get3A_0 = arith.constant 0 : index
    %get3A_1 = arith.constant 0 : index
    %get3A_2 = vector.load %arg2[%get3A, %get3A_0, %get3A_1] : memref<2x1000x128xf32, #tpu.memory_space<vmem>>, vector<1x1000x128xf32>
    %get3A_3 = vector.shape_cast %get3A_2 : vector<1x1000x128xf32> to vector<1000x128xf32>
    %get3A_4 = arith.constant 1 : index
    %get3A_5 = arith.constant 0 : index
    %get3A_6 = arith.constant 0 : index
    %get3A_7 = vector.load %arg2[%get3A_4, %get3A_5, %get3A_6] : memref<2x1000x128xf32, #tpu.memory_space<vmem>>, vector<1x1000x128xf32>
    %get3A_8 = vector.shape_cast %get3A_7 : vector<1x1000x128xf32> to vector<1000x128xf32>
    %add3A = arith.addf %get3A_3, %get3A_8 : vector<1000x128xf32>
    %get3A_9 = arith.constant 0 : index
    %get3A_10 = arith.constant 0 : index
    %get3A_11 = vector.load %arg3[%get3A_9, %get3A_10] : memref<1000x32xf32, #tpu.memory_space<vmem>>, vector<1000x32xf32>
    %reduce_sum3A = arith.constant dense<0.000000e+00> : vector<1000xf32>
    %reduce_sum3A_12 = vector.multi_reduction <add>, %get3A_11, %reduce_sum3A [1] : vector<1000x32xf32> to vector<1000xf32>
    %broadcast_in_dim3A = vector.shape_cast %reduce_sum3A_12 : vector<1000xf32> to vector<1000x1xf32>
    %max3A = arith.constant 1.000000e+00 : f32
    %max3A_13 = vector.broadcast %max3A : f32 to vector<1000x1xf32>
    %max3A_14 = arith.maximumf %broadcast_in_dim3A, %max3A_13 : vector<1000x1xf32>
    %div3A = arith.constant 1.000000e+00 : f32
    %div3A_15 = vector.broadcast %div3A : f32 to vector<1000x1xf32>
    %div3A_16 = arith.divf %div3A_15, %max3A_14 : vector<1000x1xf32>
    %mul3A = vector.broadcast %div3A_16 : vector<1000x1xf32> to vector<1000x128xf32>
    %mul3A_17 = arith.mulf %add3A, %mul3A : vector<1000x128xf32>
    %get3A_18 = arith.constant 0 : index
    %get3A_19 = arith.constant 0 : index
    %get3A_20 = vector.load %arg1[%get3A_18, %get3A_19] : memref<1000x128xf32, #tpu.memory_space<vmem>>, vector<1000x128xf32>
    %get3A_21 = arith.constant 0 : index
    %get3A_22 = arith.constant 0 : index
    %get3A_23 = vector.load %arg4[%get3A_21, %get3A_22] : memref<256x128xf32, #tpu.memory_space<vmem>>, vector<256x128xf32>
    %dot_general3A = arith.constant dense<0.000000e+00> : vector<1000x256xf32>
    %dot_general3A_24 = tpu.matmul %get3A_20, %get3A_23, %dot_general3A {dimension_numbers = #tpu.dot_dimension_numbers<[1], [1], [0], [0], [0, 0, 1, 0], [], []>, transpose_lhs_hint = false} : vector<1000x128xf32>, vector<256x128xf32>, vector<1000x256xf32> -> vector<1000x256xf32>
    %get3A_25 = arith.constant 0 : index
    %get3A_26 = arith.constant 0 : index
    %get3A_27 = vector.load %arg5[%get3A_25, %get3A_26] : memref<256x128xf32, #tpu.memory_space<vmem>>, vector<256x128xf32>
    %dot_general3A_28 = arith.constant dense<0.000000e+00> : vector<1000x256xf32>
    %dot_general3A_29 = tpu.matmul %mul3A_17, %get3A_27, %dot_general3A_28 {dimension_numbers = #tpu.dot_dimension_numbers<[1], [1], [0], [0], [0, 0, 1, 0], [], []>, transpose_lhs_hint = false} : vector<1000x128xf32>, vector<256x128xf32>, vector<1000x256xf32> -> vector<1000x256xf32>
    %add3A_30 = arith.addf %dot_general3A_24, %dot_general3A_29 : vector<1000x256xf32>
    %max3A_31 = arith.constant 0.000000e+00 : f32
    %max3A_32 = vector.broadcast %max3A_31 : f32 to vector<1000x256xf32>
    %max3A_33 = arith.maximumf %add3A_30, %max3A_32 : vector<1000x256xf32>
    %get3A_34 = arith.constant 0 : index
    %get3A_35 = arith.constant 0 : index
    %get3A_36 = vector.load %arg6[%get3A_34, %get3A_35] : memref<128x256xf32, #tpu.memory_space<vmem>>, vector<128x256xf32>
    %dot_general3A_37 = arith.constant dense<0.000000e+00> : vector<1000x128xf32>
    %dot_general3A_38 = tpu.matmul %max3A_33, %get3A_36, %dot_general3A_37 {dimension_numbers = #tpu.dot_dimension_numbers<[1], [1], [0], [0], [0, 0, 1, 0], [], []>, transpose_lhs_hint = false} : vector<1000x256xf32>, vector<128x256xf32>, vector<1000x128xf32> -> vector<1000x128xf32>
    %swap3A = arith.constant 0 : index
    %swap3A_39 = arith.constant 0 : index
    %swap3A_40 = vector.load %arg7[%swap3A, %swap3A_39] : memref<1000x128xf32, #tpu.memory_space<vmem>>, vector<1000x128xf32>
    tpu.vector_store %arg7[%swap3A, %swap3A_39], %dot_general3A_38 {strides = array<i32>} : memref<1000x128xf32, #tpu.memory_space<vmem>>, vector<1000x128xf32>,
    return
  }
  func.func @transform_0(%arg0: i32) -> (i32, i32) {
    %c0_i32 = arith.constant 0 : i32
    %c0_i32_0 = arith.constant 0 : i32
    return %arg0, %c0_i32 : i32, i32
  }
  func.func @transform_1(%arg0: i32) -> (i32, i32, i32) {
    %c0_i32 = arith.constant 0 : i32
    %c0_i32_0 = arith.constant 0 : i32
    %c0_i32_1 = arith.constant 0 : i32
    return %c0_i32, %arg0, %c0_i32_0 : i32, i32, i32
  }
  func.func @transform_2(%arg0: i32) -> (i32, i32) {
    %c0_i32 = arith.constant 0 : i32
    %c0_i32_0 = arith.constant 0 : i32
    return %arg0, %c0_i32 : i32, i32
  }
  func.func @transform_3(%arg0: i32) -> (i32, i32) {
    %c0_i32 = arith.constant 0 : i32
    %c0_i32_0 = arith.constant 0 : i32
    %c0_i32_1 = arith.constant 0 : i32
    return %c0_i32, %c0_i32_0 : i32, i32
  }
  func.func @transform_4(%arg0: i32) -> (i32, i32) {
    %c0_i32 = arith.constant 0 : i32
    %c0_i32_0 = arith.constant 0 : i32
    %c0_i32_1 = arith.constant 0 : i32
    return %c0_i32, %c0_i32_0 : i32, i32
  }
  func.func @transform_5(%arg0: i32) -> (i32, i32) {
    %c0_i32 = arith.constant 0 : i32
    %c0_i32_0 = arith.constant 0 : i32
    %c0_i32_1 = arith.constant 0 : i32
    return %c0_i32, %c0_i32_0 : i32, i32
  }
  func.func @transform_6(%arg0: i32) -> (i32, i32) {
    %c0_i32 = arith.constant 0 : i32
    %c0_i32_0 = arith.constant 0 : i32
    return %arg0, %c0_i32 : i32, i32
  }
}

</mosaic_0001>

<sc_bundles>
// kernel: kernel.5.cloned.1.call-start
scs
__scs_entry_jumppad:
0x0: {  	(pc) =	sbr.rel $0x88, $3  }
0x1: {  	(tag) =	ssettag $0x0;
	lr =	simm.s32 $0x1  }
0x2: {  	[smem:$0x3F9C] =	sst lr;
	_ =	strace $0xD0000000  }
0x3: {  	_ = 	snop  }
0x4: {  	_ = 	snop  }
0x5: {  	_ = 	snop  }
0x6: {  	_ = 	snop  }
0x7: {  	_ = 	snop  }
__scs_overlays_trampoline_lowered:
0x8: {  	[smem:$0x3FAB] =	sst s0  }
0x9: {  	[smem:$0x3FAC] =	sst s1  }
0xa: {  	[smem:$0x3FAD] =	sst s2  }
0xb: {  	[smem:$0x3FAE] =	sst s3  }
0xc: {  	[smem:$0x3FAF] =	sst s4  }
0xd: {  	[smem:$0x3FB0] =	sst s5  }
0xe: {  	[smem:$0x3FB1] =	sst s6  }
0xf: {  	[smem:$0x3FB2] =	sst s7  }
0x10: {  	[smem:$0x3FB3] =	sst s8  }
0x11: {  	[smem:$0x3FB4] =	sst s9;
	s0 =	simm.s32 @!p0 $0x0  }
0x12: {  	s1 =	sld [smem:$0x3F9A];
	s0 =	simm.s32 @p0 $0x1  }
0x13: {  	[smem:$0x3FB5] =	sst s0;
	s0 =	simm.s32 @!p1 $0x0  }
0x14: {  	s2 =	sld [smem:$0x3F99];
	s0 =	simm.s32 @p1 $0x1  }
0x15: {  	[smem:$0x3FB6] =	sst s0;
	s0 =	simm.s32 @!p2 $0x0  }
0x16: {  	s3 =	sld [smem:$0x3FDB];
	s0 =	simm.s32 @p2 $0x1  }
0x17: {  	s4 =	simm.s32 $0x1BF5;
	[smem:$0x3FB8] =	sst s0  }
0x18: {  	s0 =	sld [smem:$0x3F9B];
	_ =	swait.ge [sflag:s4], $0x0  }
0x19: {  	s7 =	sld [smem:$0x3F9C]  }
0x1a: {  	s8 =	sadd.s32 $0xFFFFE003, lr  }
0x1b: {  	s9 =	sadd.s32 $0xFFFFFEF7, lr;
	s5 =	simm.s32 $0xFFFFFFFF;
	p2 =	slt.u32 s8, $0xFFFFF086  }
0x1c: {  	p1 =	slt.u32 s9, $0xF7A;
	s5 =	simm.s32 @!p2 $0x0  }
0x1d: {  	s5 =	simm.s32 @p1 $0x1;
	p0 =	seq.s32 s7, s2  }
0x1e: {  	s7 =	smul.u32 @!p0 $0xF7A, s2;
	p2 =	seq.s32 @!p0 s5, $0x0  }
0x1f: {  	s9 =	smul.u32 $0xF7A, s1;
	s8 =	simm.s32 @!p0 $0x1BF5;
	p2 =	por !p2, p0  }
0x20: {  	[sflag:s8] =	ssyncset.s32 @!p0 $0xFFFFF086;
	s6 =	sadd.s32 @!p0 s3, s7;
	s7 =	simm.s32 @!p0 $0x108  }
0x21: {  	s3 =	sadd.s32 s3, s9;
	s6 =	sadd.s32 @!p0 $0x88, s6;
	s7 =	simm.s32 @p2 $0x1082  }
0x22: {  	[simem:s7], [sflag:s8] =	dma.local @!p0 [hbm:s6], $0xF7A  }
0x23: {  	s9 =	sor.u32 $0xD0000000, s2;
	s6 =	simm.s32 $0x108;
	_ =	swait.ge @!p0 [sflag:s8], $0x0  }
0x24: {  	s3 =	sadd.s32 $0x88, s3;
	s6 =	simm.s32 @!p1 $0x1082;
	[sflag:s4] =	ssyncset.s32 $0xFFFFF086  }
0x25: {  	[simem:s6], [sflag:s4] =	dma.local [hbm:s3], $0xF7A  }
0x26: {  	[smem:$0x3F9C] =	sst s1;
	(tag) =	ssettag s2;
	_ =	strace s9  }
0x27: {  	s1 =	sld [smem:$0x3FAC]  }
0x28: {  	s2 =	sld [smem:$0x3FAD]  }
0x29: {  	s4 =	sld [smem:$0x3FAF]  }
0x2a: {  	p0 =	seq.s32 s5, $0x0;
	s5 =	sld [smem:$0x3FB0]  }
0x2b: {  	s6 =	sld [smem:$0x3FB1]  }
0x2c: {  	s7 =	sld [smem:$0x3FB2]  }
0x2d: {  	s3 =	simm.s32 $0x108;
	s8 =	sld [smem:$0x3FB3]  }
0x2e: {  	s3 =	simm.s32 @!p0 $0x1082;
	s9 =	sld [smem:$0x3FB4]  }
0x2f: {  	lr =	sadd.s32 s0, s3;
	s0 =	sld [smem:$0x3FAB]  }
0x30: {  	s3 =	sld [smem:$0x3FAE]  }
0x31: {  	[smem:$0x3FB7] =	sst s10  }
0x32: {  	s10 =	sld [smem:$0x3FB5];
	_ =	sdelay $0x3  }
0x33: {  	p0 =	seq.s32 s10, $0x1;
	s10 =	sld [smem:$0x3FB7];
	_ =	sdelay $0x3  }
0x34: {  	[smem:$0x3FB7] =	sst s10  }
0x35: {  	s10 =	sld [smem:$0x3FB6];
	_ =	sdelay $0x3  }
0x36: {  	p1 =	seq.s32 s10, $0x1;
	s10 =	sld [smem:$0x3FB7];
	_ =	sdelay $0x3  }
0x37: {  	[smem:$0x3FB7] =	sst s10  }
0x38: {  	s10 =	sld [smem:$0x3FB8]  }
0x39: {  	_ = 	snop;
	(pc) =	sbr.ind lr, $3  }
0x3a: {  	_ = 	snop  }
0x3b: {  	_ = 	snop  }
0x3c: {  	p2 =	seq.s32 s10, $0x1;
	s10 =	sld [smem:$0x3FB7]  }
0x3d: {  	_ =	shalt  }
0x3e: {  	_ =	shalt  }
0x3f: {  	_ =	shalt  }
0x40: {  	_ =	shalt  }
0x41: {  	_ =	shalt  }
0x42: {  	_ =	shalt  }
0x43: {  	_ =	shalt  }
0x44: {  	_ =	shalt  }
0x45: {  	_ =	shalt  }
0x46: {  	_ =	shalt  }
0x47: {  	_ =	shalt  }
0x48: {  	_ =	shalt  }
0x49: {  	_ =	shalt  }
0x4a: {  	_ =	shalt  }
0x4b: {  	_ =	shalt  }
0x4c: {  	_ =	shalt  }
0x4d: {  	_ =	shalt  }
0x4e: {  	_ =	shalt  }
0x4f: {  	_ =	shalt  }
0x50: {  	_ =	shalt  }
0x51: {  	_ =	shalt  }
0x52: {  	_ =	shalt  }
0x53: {  	_ =	shalt  }
0x54: {  	_ =	shalt  }
0x55: {  	_ =	shalt  }
0x56: {  	_ =	shalt  }
0x57: {  	_ =	shalt  }
0x58: {  	_ =	shalt  }
0x59: {  	_ =	shalt  }
0x5a: {  	_ =	shalt  }
0x5b: {  	_ =	shalt  }
0x5c: {  	_ =	shalt  }
0x5d: {  	_ =	shalt  }
0x5e: {  	_ =	shalt  }
0x5f: {  	_ =	shalt  }
0x60: {  	_ =	shalt  }
0x61: {  	_ =	shalt  }
0x62: {  	_ =	shalt  }
0x63: {  	_ =	shalt  }
0x64: {  	_ =	shalt  }
0x65: {  	_ =	shalt  }
0x66: {  	_ =	shalt  }
0x67: {  	_ =	shalt  }
0x68: {  	_ =	shalt  }
0x69: {  	_ =	shalt  }
0x6a: {  	_ =	shalt  }
0x6b: {  	_ =	shalt  }
0x6c: {  	_ =	shalt  }
0x6d: {  	_ =	shalt  }
0x6e: {  	_ =	shalt  }
0x6f: {  	_ =	shalt  }
0x70: {  	_ =	shalt  }
0x71: {  	_ =	shalt  }
0x72: {  	_ =	shalt  }
0x73: {  	_ =	shalt  }
0x74: {  	_ =	shalt  }
0x75: {  	_ =	shalt  }
0x76: {  	_ =	shalt  }
0x77: {  	_ =	shalt  }
0x78: {  	_ =	shalt  }
0x79: {  	_ =	shalt  }
0x7a: {  	_ =	shalt  }
0x7b: {  	_ =	shalt  }
0x7c: {  	_ =	shalt  }
0x7d: {  	_ =	shalt  }
0x7e: {  	_ =	shalt  }
0x7f: {  	_ =	shalt  }
0x80: {  	_ =	shalt  }
0x81: {  	_ =	shalt  }
0x82: {  	_ =	shalt  }
0x83: {  	_ =	shalt  }
0x84: {  	_ =	shalt  }
0x85: {  	_ =	shalt  }
0x86: {  	_ =	shalt  }
0x87: {  	_ =	shalt  }
.Lfunc_end0:
.L_simem_size_0:
called_computation_lowered:
.L_overlay_start_0:
0x88: {  	s2 =	sld [smem:$0x3FD9]  }
0x89: {  	s3 =	sld [smem:$0x3FFE];
	_ =	sdelay $0x1  }
0x8a: {  	s1 =	srdreg.scid  }
0x8b: {  	s0 =	sand.u32 $0x1, s1  }
0x8c: {  	s17 =	sshll.u32 s0, $0xA;
	s2 =	sadd.s32 s3, s2  }
0x8d: {  	s2 =	sadd.s32 s2, s17  }
0x8e: {  	[smem:$0x3FC3] =	sst s2  }
0x8f: {  	_ = 	snop  }
0x90: {  	s2 =	sld [smem:$0x3FC8]  }
0x91: {  	s18 =	sld [smem:$0x3FD0];
	(tm) =	ssettm $0x1  }
0x92: {  	s4 =	sld [smem:$0x3FFB];
	_ =	sdelay $0x3  }
0x93: {  	_ =	strace s4  }
0x94: {  	s4 =	sld [smem:$0x3FFC];
	_ =	sdelay $0x3  }
0x95: {  	_ =	strace s4  }
0x96: {  	s4 =	sld [smem:$0x3FFD];
	_ =	sdelay $0x3  }
0x97: {  	_ =	strace s4  }
0x98: {  	_ =	strace $0x8FFFFFFF  }
0x99: {  	s19 =	sld [smem:$0x3FDB];
	_ =	sdelay $0x1  }
0x9a: {  	s5 =	simm.s32 $_scs_section_size  }
0x9b: {  	s6 =	simm.s32 $_size__tile_overlayer_lowered;
	s7 =	simm.s32 $_tile_overlayer_lowered  }
0x9c: {  	s22 =	simm.s32 $0x1BFF;
	s21 =	sshll.u32 s7, $0x1;
	s4 =	sadd.s32 s5, s19  }
0x9d: {  	s8 =	simm.s32 $0x0;
	s20 =	sshll.u32 s6, $0x1;
	s6 =	sadd.s32 s21, s4  }
0x9e: {  	[timem:s8], [sflag:s22] =	dma.local [hbm:s6], s20  }
0x9f: {  	_ =	swait.ge [sflag:s22], s20  }
0xa0: {  	s5 =	ssub.s32 $0x0, s20;
	[sflag:s22] =	ssyncset.done $0x0  }
0xa1: {  	[sflag:s22] =	ssyncadd.s32 s5;
	_ =	sdelay $0x1  }
0xa2: {  	s23 =	simm.s32 $0x1B8B  }
0xa3: {  	_ =	swait.ge [sflag:s23], $0x1  }
0xa4: {  	[sflag:s23] =	ssyncset.done $0x0  }
0xa5: {  	s25 =	simm.s32 $0x1B8E;
	s24 =	sld [smem:$0x3FFE];
	[sflag:s23] =	ssyncadd.s32 $0xFFFFFFFF  }
0xa6: {  	s26 =	simm.s32 $execute0_lowered;
	[smem:$0x3FD2] =	sst s25  }
0xa7: {  	s6 =	sshll.u32 s26, $0x1;
	_ =	strace $0x80000046;
	[dreg:$0x1] =	wrdreg $0xFFFFFFFF  }
0xa8: {  	s28 =	simm.s32 $_size_execute0_lowered;
	s4 =	sadd.s32 s4, s6;
	[dreg:$0x0] =	wrdreg $0x0  }
0xa9: {  	s6 =	sshll.u32 s28, $0x1;
	[dreg:$0x2] =	wrdreg s4  }
0xaa: {  	[dreg:$0x3] =	wrdreg s6  }
0xab: {  	[dreg:$0x4] =	wrdreg $0xC0  }
0xac: {  	_ =	task [dreg:s8], $0x5FFFF  }
0xad: {  	[dreg:$0x1] =	wrdreg $0xFFFFFFFF  }
0xae: {  	[dreg:$0x0] =	wrdreg $0x60  }
0xaf: {  	[dreg:$0x2] =	wrdreg s24  }
0xb0: {  	[dreg:$0x3] =	wrdreg s2  }
0xb1: {  	[dreg:$0x4] =	wrdreg s18  }
0xb2: {  	[dreg:$0x5] =	wrdreg $0x4F000  }
0xb3: {  	[dreg:$0x6] =	wrdreg $0x9  }
0xb4: {  	_ =	task.clear_ibuf [dreg:s8], $0x7FFFF;
	_ =	strace $0x90000046  }
0xb5: {  	s29 =	simm.s32 $0x9;
	_ =	strace $0x80000048  }
0xb6: {  	_ =	swait.ge [sflag:s29], $0x1  }
0xb7: {  	[sflag:s29] =	ssyncadd.s32 $0xFFFFFFFF  }
0xb8: {  	_ =	strace $0x90000048  }
0xb9: {  	_ =	sfence  }
0xba: {  	s30 =	sld [smem:$0x0];
	_ =	sdelay $0x2  }
0xbb: {  	s31 =	sshll.u32 s1, $0xD;
	s1 =	sshrl.u32 s1, $0x2  }
0xbc: {  	s3 =	sand.u32 $0x4000, s31;
	s1 =	sadd.s32 s1, s30  }
0xbd: {  	s0 =	sor.u32 s3, s0;
	s1 =	sshll.u32 s1, $0x11  }
0xbe: {  	s0 =	sor.u32 s1, s0  }
0xbf: {  	s0 =	sadd.s32 $0x8F2B, s0  }
0xc0: {  	[sflag:s0] =	ssyncadd.remote.s32 $0x1  }
0xc1: {  	_ =	sfence.sel $0xFFFF  }
0xc2: {  	[dreg:$0x0] =	wrdreg $0xFFFFFFFF;
	(pc) =	sbr.abs _section_cstart, $3  }
0xc3: {  	[dreg:$0x1] =	wrdreg $0xFFFFFFFF  }
0xc4: {  	_ =	task.clear_ibuf [dreg:s8], $0x2FFFF;
	_ =	strace $0x9FFFFFFF  }
0xc5: {  	(tm) =	ssettm $0x7FFFFFFF  }
tec
execute0_lowered:
.L_overlay_start_1:
0x0: {  	(tag) =	ssettag $0x1  }
0x1: {  	s0 =	rddreg [dreg:$0x0]  }
0x2: {  	s1 =	rddreg [dreg:$0x1]  }
0x3: {  	s2 =	rddreg [dreg:$0x2];
	s4 =	srdreg.scid  }
0x4: {  	s14 =	stileid.u32;
	s3 =	rddreg [dreg:$0x3];
	s18 =	simm.s32 $0x28  }
0x5: {  	s19 =	simm.s32 $0x18780;
	s20 =	simm.s32 $0x19B80;
	s29 =	simm.s32 $0x1EB80  }
0x6: {  	s30 =	simm.s32 $0x7;
	s31 =	simm.s32 $0x2;
	s17 =	simm.s32 $0x9  }
0x7: {  	s21 =	simm.s32 $0x4;
	s28 =	simm.s32 $0xB;
	s6 =	sand.u32 $0x1, s4  }
0x8: {  	s5 =	sshll.u32 s14, $0x1;
	s4 =	simm.s32 $0x0;
	s10 =	sadd.s32 $0x17A00, s0  }
0x9: {  	s11 =	smul.u32 $0x4E000, s14;
	s23 =	sshrl.u32 s14, $0x2;
	s12 =	sshll.u32 s14, $0x6  }
0xa: {  	s16 =	sadd.s32 $0x138000, s3;
	s24 =	smul.u32 $0x13800, s14;
	p0 =	sne.s32 s14, $0xF  }
0xb: {  	s8 =	sor.u32 s6, s5;
	[smem:$0x7FF] =	sst s4;
	s13 =	smul.u32 $0x13C00, s23  }
0xc: {  	s7 =	ssub.s32 $0x2, s6;
	s6 =	smul.u32 $0x138800, s6;
	s16 =	sshrl.u32 @!p0 s16, $0x3  }
0xd: {  	s23 =	simm.s32 $0xA;
	s5 =	smul.u32 $0x4E2, s8;
	_ =	strace $0x80000047  }
0xe: {  	[dreg:$0x5] =	wrdreg s10;
	s22 =	sshrl.u32 s7, $0x1;
	s11 =	sshrl.u32 s11, $0x2  }
0xf: {  	s8 =	sshll.u32 s8, $0x7;
	s10 =	ssub.s32 s7, s22;
	s11 =	sadd.s32 s11, s3  }
0x10: {  	s7 =	sor.u32 $0x1C01, s12;
	s8 =	sand.u32 $0x380, s8;
	s25 =	sadd.s32 s24, s6  }
0x11: {  	s6 =	sshrl.u32 s6, $0x3;
	s22 =	simm.s32 $0x1AF80;
	s24 =	simm.s32 $0x1C380  }
0x12: {  	s9 =	sadd.s32 s5, s0;
	s5 =	sadd.s32 $0x15200, s0;
	s0 =	sadd.s32 $0x18000, s0  }
0x13: {  	s8 =	sor.u32 s13, s8;
	s13 =	smax.u32 s10, $0x1;
	s15 =	sadd.s32 $0xB400, s9  }
0x14: {  	s14 =	sshrl.u32 s11, $0x3;
	s9 =	sadd.s32 $0x1600, s9;
	[dreg:$0x6] =	wrdreg s15  }
0x15: {  	s8 =	sshrl.u32 s8, $0x3;
	s6 =	sadd.s32 s0, s6;
	[dreg:$0x7] =	wrdreg s9  }
0x16: {  	s9 =	sshrl.u32 s25, $0x3;
	s2 =	sadd.s32 s2, s8;
	s26 =	sadd.s32 $0x27000, s6  }
0x17: {  	s15 =	simm.s32 $0x1;
	s25 =	simm.s32 $0x5;
	s6 =	simm.s32 $0x6  }
0x18: {  	s8 =	simm.s32 $0xC;
	[dreg:$0x8] =	wrdreg s2;
	s0 =	sadd.s32 s0, s9  }
0x19: {  	[dreg:$0xa] =	wrdreg s26;
	s26 =	simm.s32 $0x1D780;
	s2 =	simm.s32 $0x8  }
0x1a: {  	v0 =	vimm.f32 $1.000000000e+00;
	s9 =	simm.s32 $0x0;
	[dreg:$0x9] =	wrdreg s0;
	s0 =	simm.s32 $0x3  }
.LBB2_1:
0x1b: {  	[spmem:s14], [sflag:s7] =	dma.local [hbm:s5], $0x2700  }
0x1c: {  	_ =	swait.ge [sflag:s15], $0x2700  }
0x1d: {  	[sflag:s15] =	ssyncset.done $0x0  }
0x1e: {  	s10 =	simm.s32 @!p0 $0x1;
	[sflag:s15] =	ssyncadd.s32 $0xFFFFD900  }
0x1f: {  	[spmem:s16], [sflag:s7] =	dma.local @!p0 [hbm:s5], $0x100  }
0x20: {  	_ =	swait.ge @!p0 [sflag:s10], $0x100  }
0x21: {  	[sflag:s10] =	ssyncset.done @!p0 $0x0  }
0x22: {  	s11 =	rddreg [dreg:$0x6];
	[sflag:s10] =	ssyncadd.s32 @!p0 $0xFFFFFF00  }
0x23: {  	[tilespmem:s4], [sflag:$0x1] =	stream.linear.gather [hbm4b:s11+s4], $0x2710, $0x38;
	[tilespmem:$0x1FF80] =	vst v63  }
0x24: {  	_ =	swait.ge [sflag:s15], $0x2710  }
0x25: {  	[sflag:s15] =	ssyncset.done $0x0  }
0x26: {  	s11 =	simm.s32 $0x2780;
	s12 =	rddreg [dreg:$0x7];
	[sflag:s15] =	ssyncadd.s32 $0xFFFFD8F0  }
0x27: {  	[tilespmem:s11], [sflag:$0x1] =	stream.linear.gather [hbm4b:s12+s4], $0x2710, $0x38;
	[tilespmem:$0x1FF80] =	vst v63  }
0x28: {  	_ =	swait.ge [sflag:s15], $0x2710  }
0x29: {  	[sflag:s15] =	ssyncset.done $0x0  }
0x2a: {  	[sflag:s15] =	ssyncadd.s32 $0xFFFFD8F0  }
0x2b: {  	[bflag:$0x0] =	sbarrier.arrive $0xFFFF  }
0x2c: {  	[tilespmem:s19], [sflag:$0x1] =	stream.indirect.gather [hbm4b:s1+s18], $0x80, s4, s18, $0xb8;
	[tilespmem:$0x1FF80] =	vst v63  }
0x2d: {  	_ = 	snop  }
0x2e: {  	[tilespmem:s20], [sflag:$0x2] =	stream.indirect.gather [hbm4b:s1+s18], $0x80, s18, s18, $0xb8;
	[tilespmem:$0x1FF80] =	vst v63  }
0x2f: {  	s12 =	simm.s32 $0x50  }
0x30: {  	[tilespmem:s22], [sflag:$0x3] =	stream.indirect.gather [hbm4b:s1+s18], $0x80, s12, s18, $0xb8;
	[tilespmem:$0x1FF80] =	vst v63  }
0x31: {  	s11 =	simm.s32 $0x78  }
0x32: {  	[tilespmem:s24], [sflag:$0x4] =	stream.indirect.gather [hbm4b:s1+s18], $0x80, s11, s18, $0xb8;
	[tilespmem:$0x1FF80] =	vst v63  }
0x33: {  	s12 =	simm.s32 $0xA0  }
0x34: {  	[tilespmem:s26], [sflag:$0x5] =	stream.indirect.gather [hbm4b:s1+s18], $0x80, s12, s18, $0xb8;
	[tilespmem:$0x1FF80] =	vst v63  }
0x35: {  	s11 =	simm.s32 $0xC8  }
0x36: {  	[tilespmem:s29], [sflag:$0x6] =	stream.indirect.gather [hbm4b:s1+s18], $0x80, s11, s18, $0xb8;
	[tilespmem:$0x1FF80] =	vst v63  }
0x37: {  	_ =	swait.ge [sflag:s15], $0x1400  }
0x38: {  	[sflag:s15] =	ssyncset.done $0x0  }
0x39: {  	s12 =	simm.s32 $0x2780;
	[sflag:s15] =	ssyncadd.s32 $0xFFFFEC00  }
0x3a: {  	[spmem:s3] =	stream.indirect.scatter.add.f32 [tilespmem:s19], [sflag:$0x7], $0x80, s12, s18, $0xb8;
	[tilespmem:$0x1FF80] =	vst v63  }
0x3b: {  	_ =	swait.ge [sflag:s30], $0x1400  }
0x3c: {  	[sflag:s30] =	ssyncset.done $0x0  }
0x3d: {  	s11 =	simm.s32 $0xF0;
	[sflag:s30] =	ssyncadd.s32 $0xFFFFEC00  }
0x3e: {  	[tilespmem:s19], [sflag:$0x1] =	stream.indirect.gather [hbm4b:s1+s18], $0x80, s11, s18, $0xb8;
	[tilespmem:$0x1FF80] =	vst v63  }
0x3f: {  	_ =	swait.ge [sflag:s31], $0x1400  }
0x40: {  	[sflag:s31] =	ssyncset.done $0x0  }
0x41: {  	s12 =	simm.s32 $0x27A8;
	[sflag:s31] =	ssyncadd.s32 $0xFFFFEC00  }
0x42: {  	[spmem:s3] =	stream.indirect.scatter.add.f32 [tilespmem:s20], [sflag:$0x8], $0x80, s12, s18, $0xb8;
	[tilespmem:$0x1FF80] =	vst v63  }
0x43: {  	_ =	swait.ge [sflag:s2], $0x1400  }
0x44: {  	[sflag:s2] =	ssyncset.done $0x0  }
0x45: {  	s11 =	simm.s32 $0x118;
	[sflag:s2] =	ssyncadd.s32 $0xFFFFEC00  }
0x46: {  	[tilespmem:s20], [sflag:$0x2] =	stream.indirect.gather [hbm4b:s1+s18], $0x80, s11, s18, $0xb8;
	[tilespmem:$0x1FF80] =	vst v63  }
0x47: {  	_ =	swait.ge [sflag:s0], $0x1400  }
0x48: {  	[sflag:s0] =	ssyncset.done $0x0  }
0x49: {  	s12 =	simm.s32 $0x27D0;
	[sflag:s0] =	ssyncadd.s32 $0xFFFFEC00  }
0x4a: {  	[spmem:s3] =	stream.indirect.scatter.add.f32 [tilespmem:s22], [sflag:$0x9], $0x80, s12, s18, $0xb8;
	[tilespmem:$0x1FF80] =	vst v63  }
0x4b: {  	_ =	swait.ge [sflag:s17], $0x1400  }
0x4c: {  	[sflag:s17] =	ssyncset.done $0x0  }
0x4d: {  	s11 =	simm.s32 $0x140;
	[sflag:s17] =	ssyncadd.s32 $0xFFFFEC00  }
0x4e: {  	[tilespmem:s22], [sflag:$0x3] =	stream.indirect.gather [hbm4b:s1+s18], $0x80, s11, s18, $0xb8;
	[tilespmem:$0x1FF80] =	vst v63  }
0x4f: {  	_ =	swait.ge [sflag:s21], $0x1400  }
0x50: {  	[sflag:s21] =	ssyncset.done $0x0  }
0x51: {  	s12 =	simm.s32 $0x27F8;
	[sflag:s21] =	ssyncadd.s32 $0xFFFFEC00  }
0x52: {  	[spmem:s3] =	stream.indirect.scatter.add.f32 [tilespmem:s24], [sflag:$0xA], $0x80, s12, s18, $0xb8;
	[tilespmem:$0x1FF80] =	vst v63  }
0x53: {  	_ =	swait.ge [sflag:s23], $0x1400  }
0x54: {  	[sflag:s23] =	ssyncset.done $0x0  }
0x55: {  	s11 =	simm.s32 $0x168;
	[sflag:s23] =	ssyncadd.s32 $0xFFFFEC00  }
0x56: {  	[tilespmem:s24], [sflag:$0x4] =	stream.indirect.gather [hbm4b:s1+s18], $0x80, s11, s18, $0xb8;
	[tilespmem:$0x1FF80] =	vst v63  }
0x57: {  	_ =	swait.ge [sflag:s25], $0x1400  }
0x58: {  	[sflag:s25] =	ssyncset.done $0x0  }
0x59: {  	s12 =	simm.s32 $0x2820;
	[sflag:s25] =	ssyncadd.s32 $0xFFFFEC00  }
0x5a: {  	[spmem:s3] =	stream.indirect.scatter.add.f32 [tilespmem:s26], [sflag:$0xB], $0x80, s12, s18, $0xb8;
	[tilespmem:$0x1FF80] =	vst v63  }
0x5b: {  	_ =	swait.ge [sflag:s28], $0x1400  }
0x5c: {  	[sflag:s28] =	ssyncset.done $0x0  }
0x5d: {  	s11 =	simm.s32 $0x190;
	[sflag:s28] =	ssyncadd.s32 $0xFFFFEC00  }
0x5e: {  	[tilespmem:s26], [sflag:$0x5] =	stream.indirect.gather [hbm4b:s1+s18], $0x80, s11, s18, $0xb8;
	[tilespmem:$0x1FF80] =	vst v63  }
0x5f: {  	_ =	swait.ge [sflag:s6], $0x1400  }
0x60: {  	[sflag:s6] =	ssyncset.done $0x0  }
0x61: {  	s12 =	simm.s32 $0x2848;
	[sflag:s6] =	ssyncadd.s32 $0xFFFFEC00  }
0x62: {  	[spmem:s3] =	stream.indirect.scatter.add.f32 [tilespmem:s29], [sflag:$0xC], $0x80, s12, s18, $0xb8;
	[tilespmem:$0x1FF80] =	vst v63  }
0x63: {  	_ =	swait.ge [sflag:s8], $0x1400  }
0x64: {  	[sflag:s8] =	ssyncset.done $0x0  }
0x65: {  	s10 =	simm.s32 $0x3C0;
	s11 =	simm.s32 $0x1B8;
	[sflag:s8] =	ssyncadd.s32 $0xFFFFEC00  }
.LBB2_2:
0x66: {  	[tilespmem:s29], [sflag:$0x6] =	stream.indirect.gather [hbm4b:s1+s18], $0x80, s11, s18, $0xb8;
	[tilespmem:$0x1FF80] =	vst v63  }
0x67: {  	s11 =	smov.u32 s10  }
0x68: {  	p1 =	sne.s32 s10, $0x9240;
	s10 =	sadd.s32 $0x3C0, s10;
	_ =	swait.ge [sflag:s15], $0x1400  }
0x69: {  	s11 =	sshra.s32 s11, $0x2;
	[sflag:s15] =	ssyncset.done $0x0  }
0x6a: {  	s12 =	sadd.s32 $0x2780, s11;
	[sflag:s15] =	ssyncadd.s32 $0xFFFFEC00  }
0x6b: {  	[spmem:s3] =	stream.indirect.scatter.add.f32 [tilespmem:s19], [sflag:$0x7], $0x80, s12, s18, $0xb8;
	[tilespmem:$0x1FF80] =	vst v63  }
0x6c: {  	_ =	swait.ge [sflag:s30], $0x1400  }
0x6d: {  	[sflag:s30] =	ssyncset.done $0x0  }
0x6e: {  	s12 =	sadd.s32 $0xF0, s11;
	[sflag:s30] =	ssyncadd.s32 $0xFFFFEC00  }
0x6f: {  	[tilespmem:s19], [sflag:$0x1] =	stream.indirect.gather [hbm4b:s1+s18], $0x80, s12, s18, $0xb8;
	[tilespmem:$0x1FF80] =	vst v63  }
0x70: {  	_ =	swait.ge [sflag:s31], $0x1400  }
0x71: {  	[sflag:s31] =	ssyncset.done $0x0  }
0x72: {  	s12 =	sadd.s32 $0x27A8, s11;
	[sflag:s31] =	ssyncadd.s32 $0xFFFFEC00  }
0x73: {  	[spmem:s3] =	stream.indirect.scatter.add.f32 [tilespmem:s20], [sflag:$0x8], $0x80, s12, s18, $0xb8;
	[tilespmem:$0x1FF80] =	vst v63  }
0x74: {  	_ =	swait.ge [sflag:s2], $0x1400  }
0x75: {  	[sflag:s2] =	ssyncset.done $0x0  }
0x76: {  	s12 =	sadd.s32 $0x118, s11;
	[sflag:s2] =	ssyncadd.s32 $0xFFFFEC00  }
0x77: {  	[tilespmem:s20], [sflag:$0x2] =	stream.indirect.gather [hbm4b:s1+s18], $0x80, s12, s18, $0xb8;
	[tilespmem:$0x1FF80] =	vst v63  }
0x78: {  	_ =	swait.ge [sflag:s0], $0x1400  }
0x79: {  	[sflag:s0] =	ssyncset.done $0x0  }
0x7a: {  	s12 =	sadd.s32 $0x27D0, s11;
	[sflag:s0] =	ssyncadd.s32 $0xFFFFEC00  }
0x7b: {  	[spmem:s3] =	stream.indirect.scatter.add.f32 [tilespmem:s22], [sflag:$0x9], $0x80, s12, s18, $0xb8;
	[tilespmem:$0x1FF80] =	vst v63  }
0x7c: {  	_ =	swait.ge [sflag:s17], $0x1400  }
0x7d: {  	[sflag:s17] =	ssyncset.done $0x0  }
0x7e: {  	s12 =	sadd.s32 $0x140, s11;
	[sflag:s17] =	ssyncadd.s32 $0xFFFFEC00  }
0x7f: {  	[tilespmem:s22], [sflag:$0x3] =	stream.indirect.gather [hbm4b:s1+s18], $0x80, s12, s18, $0xb8;
	[tilespmem:$0x1FF80] =	vst v63  }
0x80: {  	_ =	swait.ge [sflag:s21], $0x1400  }
0x81: {  	[sflag:s21] =	ssyncset.done $0x0  }
0x82: {  	s12 =	sadd.s32 $0x27F8, s11;
	[sflag:s21] =	ssyncadd.s32 $0xFFFFEC00  }
0x83: {  	[spmem:s3] =	stream.indirect.scatter.add.f32 [tilespmem:s24], [sflag:$0xA], $0x80, s12, s18, $0xb8;
	[tilespmem:$0x1FF80] =	vst v63  }
0x84: {  	_ =	swait.ge [sflag:s23], $0x1400  }
0x85: {  	[sflag:s23] =	ssyncset.done $0x0  }
0x86: {  	s12 =	sadd.s32 $0x168, s11;
	[sflag:s23] =	ssyncadd.s32 $0xFFFFEC00  }
0x87: {  	[tilespmem:s24], [sflag:$0x4] =	stream.indirect.gather [hbm4b:s1+s18], $0x80, s12, s18, $0xb8;
	[tilespmem:$0x1FF80] =	vst v63  }
0x88: {  	_ =	swait.ge [sflag:s25], $0x1400  }
0x89: {  	[sflag:s25] =	ssyncset.done $0x0  }
0x8a: {  	s12 =	sadd.s32 $0x2820, s11;
	[sflag:s25] =	ssyncadd.s32 $0xFFFFEC00  }
0x8b: {  	[spmem:s3] =	stream.indirect.scatter.add.f32 [tilespmem:s26], [sflag:$0xB], $0x80, s12, s18, $0xb8;
	[tilespmem:$0x1FF80] =	vst v63  }
0x8c: {  	_ =	swait.ge [sflag:s28], $0x1400  }
0x8d: {  	[sflag:s28] =	ssyncset.done $0x0  }
0x8e: {  	s12 =	sadd.s32 $0x190, s11;
	[sflag:s28] =	ssyncadd.s32 $0xFFFFEC00  }
0x8f: {  	[tilespmem:s26], [sflag:$0x5] =	stream.indirect.gather [hbm4b:s1+s18], $0x80, s12, s18, $0xb8;
	[tilespmem:$0x1FF80] =	vst v63  }
0x90: {  	_ =	swait.ge [sflag:s6], $0x1400  }
0x91: {  	[sflag:s6] =	ssyncset.done $0x0  }
.Ltmp0:
0x92: {  	s12 =	sadd.s32 $0x2848, s11;
	[sflag:s6] =	ssyncadd.s32 $0xFFFFEC00;
	(pc) =	sbr.rel @p1 .LBB2_2-.Ltmp0, $4  }
0x93: {  	[spmem:s3] =	stream.indirect.scatter.add.f32 [tilespmem:s29], [sflag:$0xC], $0x80, s12, s18, $0xb8;
	[tilespmem:$0x1FF80] =	vst v63  }
0x94: {  	_ =	swait.ge [sflag:s8], $0x1400  }
0x95: {  	[sflag:s8] =	ssyncset.done $0x0  }
0x96: {  	s11 =	sadd.s32 $0x1B8, s11;
	[sflag:s8] =	ssyncadd.s32 $0xFFFFEC00  }
0x97: {  	[tilespmem:s29], [sflag:$0x6] =	stream.indirect.gather [hbm4b:s1+s18], $0x80, s11, s18, $0xb8;
	[tilespmem:$0x1FF80] =	vst v63  }
0x98: {  	_ =	swait.ge [sflag:s15], $0x1400  }
0x99: {  	[sflag:s15] =	ssyncset.done $0x0  }
0x9a: {  	s10 =	simm.s32 $0x4D00;
	[sflag:s15] =	ssyncadd.s32 $0xFFFFEC00  }
0x9b: {  	[spmem:s3] =	stream.indirect.scatter.add.f32 [tilespmem:s19], [sflag:$0x7], $0x80, s10, s18, $0xb8;
	[tilespmem:$0x1FF80] =	vst v63  }
0x9c: {  	_ =	swait.ge [sflag:s30], $0x1400  }
0x9d: {  	[sflag:s30] =	ssyncset.done $0x0  }
0x9e: {  	s12 =	simm.s32 $0x2670;
	[sflag:s30] =	ssyncadd.s32 $0xFFFFEC00  }
0x9f: {  	[tilespmem:s19], [sflag:$0x1] =	stream.indirect.gather [hbm4b:s1+s18], $0x80, s12, s18, $0xb8;
	[tilespmem:$0x1FF80] =	vst v63  }
0xa0: {  	_ =	swait.ge [sflag:s31], $0x1400  }
0xa1: {  	[sflag:s31] =	ssyncset.done $0x0  }
0xa2: {  	s11 =	simm.s32 $0x4D28;
	[sflag:s31] =	ssyncadd.s32 $0xFFFFEC00  }
0xa3: {  	[spmem:s3] =	stream.indirect.scatter.add.f32 [tilespmem:s20], [sflag:$0x8], $0x80, s11, s18, $0xb8;
	[tilespmem:$0x1FF80] =	vst v63  }
0xa4: {  	_ =	swait.ge [sflag:s2], $0x1400  }
0xa5: {  	[sflag:s2] =	ssyncset.done $0x0  }
0xa6: {  	s12 =	simm.s32 $0x2698;
	[sflag:s2] =	ssyncadd.s32 $0xFFFFEC00  }
0xa7: {  	[tilespmem:s20], [sflag:$0x2] =	stream.indirect.gather [hbm4b:s1+s18], $0x80, s12, s18, $0xb8;
	[tilespmem:$0x1FF80] =	vst v63  }
0xa8: {  	_ =	swait.ge [sflag:s0], $0x1400  }
0xa9: {  	[sflag:s0] =	ssyncset.done $0x0  }
0xaa: {  	s11 =	simm.s32 $0x4D50;
	[sflag:s0] =	ssyncadd.s32 $0xFFFFEC00  }
0xab: {  	[spmem:s3] =	stream.indirect.scatter.add.f32 [tilespmem:s22], [sflag:$0x9], $0x80, s11, s18, $0xb8;
	[tilespmem:$0x1FF80] =	vst v63  }
0xac: {  	_ =	swait.ge [sflag:s17], $0x1400  }
0xad: {  	[sflag:s17] =	ssyncset.done $0x0  }
0xae: {  	s12 =	simm.s32 $0x26C0;
	[sflag:s17] =	ssyncadd.s32 $0xFFFFEC00  }
0xaf: {  	[tilespmem:s22], [sflag:$0x3] =	stream.indirect.gather [hbm4b:s1+s18], $0x80, s12, s18, $0xb8;
	[tilespmem:$0x1FF80] =	vst v63  }
0xb0: {  	_ =	swait.ge [sflag:s21], $0x1400  }
0xb1: {  	[sflag:s21] =	ssyncset.done $0x0  }
0xb2: {  	s11 =	simm.s32 $0x4D78;
	[sflag:s21] =	ssyncadd.s32 $0xFFFFEC00  }
0xb3: {  	[spmem:s3] =	stream.indirect.scatter.add.f32 [tilespmem:s24], [sflag:$0xA], $0x80, s11, s18, $0xb8;
	[tilespmem:$0x1FF80] =	vst v63  }
0xb4: {  	_ =	swait.ge [sflag:s23], $0x1400  }
0xb5: {  	[sflag:s23] =	ssyncset.done $0x0  }
0xb6: {  	s12 =	simm.s32 $0x26E8;
	[sflag:s23] =	ssyncadd.s32 $0xFFFFEC00  }
0xb7: {  	[tilespmem:s24], [sflag:$0x4] =	stream.indirect.gather [hbm4b:s1+s18], $0x80, s12, s18, $0xb8;
	[tilespmem:$0x1FF80] =	vst v63  }
0xb8: {  	_ =	swait.ge [sflag:s25], $0x1400  }
0xb9: {  	[sflag:s25] =	ssyncset.done $0x0  }
0xba: {  	s11 =	simm.s32 $0x4DA0;
	[sflag:s25] =	ssyncadd.s32 $0xFFFFEC00  }
0xbb: {  	[spmem:s3] =	stream.indirect.scatter.add.f32 [tilespmem:s26], [sflag:$0xB], $0x80, s11, s18, $0xb8;
	[tilespmem:$0x1FF80] =	vst v63  }
0xbc: {  	_ =	swait.ge [sflag:s6], $0x1400  }
0xbd: {  	[sflag:s6] =	ssyncset.done $0x0  }
0xbe: {  	s12 =	simm.s32 $0x4DC8;
	[sflag:s6] =	ssyncadd.s32 $0xFFFFEC00  }
0xbf: {  	[spmem:s3] =	stream.indirect.scatter.add.f32 [tilespmem:s29], [sflag:$0xC], $0x80, s12, s18, $0xb8;
	[tilespmem:$0x1FF80] =	vst v63  }
0xc0: {  	_ =	swait.ge [sflag:s15], $0x1400  }
0xc1: {  	[sflag:s15] =	ssyncset.done $0x0  }
0xc2: {  	s11 =	simm.s32 $0x4DF0;
	[sflag:s15] =	ssyncadd.s32 $0xFFFFEC00  }
0xc3: {  	[spmem:s3] =	stream.indirect.scatter.add.f32 [tilespmem:s19], [sflag:$0x7], $0x80, s11, s18, $0xb8;
	[tilespmem:$0x1FF80] =	vst v63  }
0xc4: {  	_ =	swait.ge [sflag:s31], $0x1400  }
0xc5: {  	[sflag:s31] =	ssyncset.done $0x0  }
0xc6: {  	s12 =	simm.s32 $0x4E18;
	[sflag:s31] =	ssyncadd.s32 $0xFFFFEC00  }
0xc7: {  	[spmem:s3] =	stream.indirect.scatter.add.f32 [tilespmem:s20], [sflag:$0x8], $0x80, s12, s18, $0xb8;
	[tilespmem:$0x1FF80] =	vst v63  }
0xc8: {  	_ =	swait.ge [sflag:s0], $0x1400  }
0xc9: {  	[sflag:s0] =	ssyncset.done $0x0  }
0xca: {  	s11 =	simm.s32 $0x4E40;
	[sflag:s0] =	ssyncadd.s32 $0xFFFFEC00  }
0xcb: {  	[spmem:s3] =	stream.indirect.scatter.add.f32 [tilespmem:s22], [sflag:$0x9], $0x80, s11, s18, $0xb8;
	[tilespmem:$0x1FF80] =	vst v63  }
0xcc: {  	_ =	swait.ge [sflag:s21], $0x1400  }
0xcd: {  	[sflag:s21] =	ssyncset.done $0x0  }
0xce: {  	s12 =	simm.s32 $0x4E68;
	[sflag:s21] =	ssyncadd.s32 $0xFFFFEC00  }
0xcf: {  	[spmem:s3] =	stream.indirect.scatter.add.f32 [tilespmem:s24], [sflag:$0xA], $0x80, s12, s18, $0xb8;
	[tilespmem:$0x1FF80] =	vst v63  }
0xd0: {  	_ =	swait.ge [sflag:s30], $0x1400  }
0xd1: {  	[sflag:s30] =	ssyncset.done $0x0  }
0xd2: {  	[sflag:s30] =	ssyncadd.s32 $0xFFFFEC00  }
0xd3: {  	_ =	swait.ge [sflag:s2], $0x1400  }
0xd4: {  	[sflag:s2] =	ssyncset.done $0x0  }
0xd5: {  	[sflag:s2] =	ssyncadd.s32 $0xFFFFEC00  }
0xd6: {  	_ =	swait.ge [sflag:s17], $0x1400  }
0xd7: {  	[sflag:s17] =	ssyncset.done $0x0  }
0xd8: {  	[sflag:s17] =	ssyncadd.s32 $0xFFFFEC00  }
0xd9: {  	_ =	swait.ge [sflag:s23], $0x1400  }
0xda: {  	[sflag:s23] =	ssyncset.done $0x0  }
0xdb: {  	[sflag:s23] =	ssyncadd.s32 $0xFFFFEC00  }
0xdc: {  	_ =	swait.ge [sflag:s28], $0x1400  }
0xdd: {  	[sflag:s28] =	ssyncset.done $0x0  }
0xde: {  	[sflag:s28] =	ssyncadd.s32 $0xFFFFEC00  }
0xdf: {  	_ =	swait.ge [sflag:s8], $0x1400  }
0xe0: {  	[sflag:s8] =	ssyncset.done $0x0  }
0xe1: {  	s11 =	simm.s32 $0x0;
	s12 =	rddreg [dreg:$0x5];
	[sflag:s8] =	ssyncadd.s32 $0xFFFFEC00  }
0xe2: {  	[tilespmem:s19], [sflag:$0x1] =	stream.linear.gather [hbm4b:s12+s11], $0x2780, $0x38;
	[tilespmem:$0x1FF80] =	vst v63  }
0xe3: {  	_ =	swait.ge [sflag:s15], $0x2780  }
0xe4: {  	[sflag:s15] =	ssyncset.done $0x0  }
0xe5: {  	s10 =	simm.s32 $0x40;
	s11 =	simm.s32 $0x0;
	[sflag:s15] =	ssyncadd.s32 $0xFFFFD880  }
.LBB2_4:
0xe6: {  	p1 =	sne.s32 s10, $0x9C00;
	v1 =	vld [tilespmem:s11+$0x2780];
	_ =	sdelay $0x3  }
.Ltmp1:
0xe7: {  	(pc) =	sbr.rel @p1 .LBB2_4-.Ltmp1, $2  }
0xe8: {  	_ =	sdelay $0x2  }
0xe9: {  	s11 =	sshra.s32 s10, $0x2;
	s10 =	sadd.s32 $0x40, s10;
	[tilespmem:v1+s19+$0x0] =	vst.idx.add.f32.msk $0xffff, v0  }
0xea: {  	v1 =	vld [tilespmem:s11+$0x2780];
	_ =	sdelay $0x7  }
0xeb: {  	s10 =	rddreg [dreg:$0x8];
	s11 =	simm.s32 $0x80;
	s12 =	simm.s32 $0x400;
	[tilespmem:v1+s19+$0x0] =	vst.idx.add.f32.msk $0xffff, v0  }
0xec: {  	[hbm4b:s10+s11] =	stream.strided.scatter [tilespmem:s19], [sflag:$0x1], $0x2780, s12, s11, $0x38;
	[tilespmem:$0x1FF80] =	vst v63  }
0xed: {  	_ =	swait.ge [sflag:s15], $0x2780  }
0xee: {  	[sflag:s15] =	ssyncset.done $0x0  }
0xef: {  	[sflag:s15] =	ssyncadd.s32 $0xFFFFD880  }
0xf0: {  	[bflag:$0x0] =	sbarrier.arrive $0xFFFF  }
0xf1: {  	s12 =	rddreg [dreg:$0x9]  }
0xf2: {  	[hbm:s12], [sflag:s7] =	dma.local [spmem:s14], $0x2700  }
0xf3: {  	_ =	swait.ge [sflag:s15], $0x2700  }
0xf4: {  	s9 =	sadd.s32 $0x1, s9;
	[sflag:s15] =	ssyncset.done $0x0  }
0xf5: {  	p1 =	sne.s32 s9, s13;
	s10 =	rddreg [dreg:$0xa];
	[sflag:s15] =	ssyncadd.s32 $0xFFFFD900  }
0xf6: {  	[hbm:s10], [sflag:s7] =	dma.local @!p0 [spmem:s16], $0x100  }
.Ltmp2:
0xf7: {  	_ = 	snop;
	(pc) =	sbr.rel @p1 .LBB2_1-.Ltmp2, $4  }
0xf8: {  	s10 =	simm.s32 @!p0 $0x1  }
0xf9: {  	_ =	swait.ge @!p0 [sflag:s10], $0x100  }
0xfa: {  	[sflag:s10] =	ssyncset.done @!p0 $0x0  }
0xfb: {  	[sflag:s10] =	ssyncadd.s32 @!p0 $0xFFFFFF00  }
0xfc: {  	_ =	sfence.sel $0x180000  }
0xfd: {  	[bflag:$0x0] =	sbarrier.arrive $0xFFFF  }
0xfe: {  	_ =	strace $0x90000047  }
0xff: {  	s0 =	stileid.u32;
	[bflag:$0x2] =	sbarrier.arrive $0xFFFF  }
0x100: {  	p0 =	sne.s32 s0, $0x0;
	s0 =	rddreg [dreg:$0x4]  }
0x101: {  	s0 =	sadd.s32 @!p0 $0x100000, s0  }
0x102: {  	[sflag:s0] =	ssyncadd.tile.s32 @!p0 $0x1;
	_ =	shalt  }
.Lfunc_end2:
_tile_overlayer_lowered:
.L_overlay_start_2:
0x103: {  	(tag) =	ssettag $0x2  }
0x104: {  	s0 =	rddreg [dreg:$0x0];
	s2 =	stileid.u32  }
0x105: {  	s1 =	rddreg [dreg:$0x1];
	p0 =	sne.s32 s2, $0x0  }
0x106: {  	s3 =	rddreg [dreg:$0x2];
	[bflag:$0x3] =	sbarrier.arrive $0xFFFF;
	s2 =	simm.s32 @!p0 $0x1C01  }
0x107: {  	[timem:s3], [sflag:s2] =	dma.local @!p0 [hbm:s0], s1  }
0x108: {  	s0 =	simm.s32 @!p0 $0x1  }
0x109: {  	_ =	swait.ge @!p0 [sflag:s0], s1  }
0x10a: {  	s1 =	ssub.s32 @!p0 $0x0, s1;
	[sflag:s0] =	ssyncset.done @!p0 $0x0  }
0x10b: {  	[sflag:s0] =	ssyncadd.s32 @!p0 s1  }
0x10c: {  	[bflag:$0x3] =	sbarrier.arrive $0xFFFF  }
0x10d: {  	_ =	shalt  }

// kernel: kernel.8.cloned.1.call-start
scs
__scs_entry_jumppad:
0x0: {  	(pc) =	sbr.rel $0x88, $3  }
0x1: {  	(tag) =	ssettag $0x0;
	lr =	simm.s32 $0x1  }
0x2: {  	[smem:$0x3F9C] =	sst lr;
	_ =	strace $0xD0000000  }
0x3: {  	_ = 	snop  }
0x4: {  	_ = 	snop  }
0x5: {  	_ = 	snop  }
0x6: {  	_ = 	snop  }
0x7: {  	_ = 	snop  }
__scs_overlays_trampoline_lowered:
0x8: {  	[smem:$0x3FAB] =	sst s0  }
0x9: {  	[smem:$0x3FAC] =	sst s1  }
0xa: {  	[smem:$0x3FAD] =	sst s2  }
0xb: {  	[smem:$0x3FAE] =	sst s3  }
0xc: {  	[smem:$0x3FAF] =	sst s4  }
0xd: {  	[smem:$0x3FB0] =	sst s5  }
0xe: {  	[smem:$0x3FB1] =	sst s6  }
0xf: {  	[smem:$0x3FB2] =	sst s7  }
0x10: {  	[smem:$0x3FB3] =	sst s8  }
0x11: {  	[smem:$0x3FB4] =	sst s9;
	s0 =	simm.s32 @!p0 $0x0  }
0x12: {  	s1 =	sld [smem:$0x3F9A];
	s0 =	simm.s32 @p0 $0x1  }
0x13: {  	[smem:$0x3FB5] =	sst s0;
	s0 =	simm.s32 @!p1 $0x0  }
0x14: {  	s2 =	sld [smem:$0x3F99];
	s0 =	simm.s32 @p1 $0x1  }
0x15: {  	[smem:$0x3FB6] =	sst s0;
	s0 =	simm.s32 @!p2 $0x0  }
0x16: {  	s3 =	sld [smem:$0x3FDB];
	s0 =	simm.s32 @p2 $0x1  }
0x17: {  	s4 =	simm.s32 $0x1BF5;
	[smem:$0x3FB8] =	sst s0  }
0x18: {  	s0 =	sld [smem:$0x3F9B];
	_ =	swait.ge [sflag:s4], $0x0  }
0x19: {  	s7 =	sld [smem:$0x3F9C]  }
0x1a: {  	s8 =	sadd.s32 $0xFFFFE003, lr  }
0x1b: {  	s9 =	sadd.s32 $0xFFFFFEF7, lr;
	s5 =	simm.s32 $0xFFFFFFFF;
	p2 =	slt.u32 s8, $0xFFFFF086  }
0x1c: {  	p1 =	slt.u32 s9, $0xF7A;
	s5 =	simm.s32 @!p2 $0x0  }
0x1d: {  	s5 =	simm.s32 @p1 $0x1;
	p0 =	seq.s32 s7, s2  }
0x1e: {  	s7 =	smul.u32 @!p0 $0xF7A, s2;
	p2 =	seq.s32 @!p0 s5, $0x0  }
0x1f: {  	s9 =	smul.u32 $0xF7A, s1;
	s8 =	simm.s32 @!p0 $0x1BF5;
	p2 =	por !p2, p0  }
0x20: {  	[sflag:s8] =	ssyncset.s32 @!p0 $0xFFFFF086;
	s6 =	sadd.s32 @!p0 s3, s7;
	s7 =	simm.s32 @!p0 $0x108  }
0x21: {  	s3 =	sadd.s32 s3, s9;
	s6 =	sadd.s32 @!p0 $0x88, s6;
	s7 =	simm.s32 @p2 $0x1082  }
0x22: {  	[simem:s7], [sflag:s8] =	dma.local @!p0 [hbm:s6], $0xF7A  }
0x23: {  	s9 =	sor.u32 $0xD0000000, s2;
	s6 =	simm.s32 $0x108;
	_ =	swait.ge @!p0 [sflag:s8], $0x0  }
0x24: {  	s3 =	sadd.s32 $0x88, s3;
	s6 =	simm.s32 @!p1 $0x1082;
	[sflag:s4] =	ssyncset.s32 $0xFFFFF086  }
0x25: {  	[simem:s6], [sflag:s4] =	dma.local [hbm:s3], $0xF7A  }
0x26: {  	[smem:$0x3F9C] =	sst s1;
	(tag) =	ssettag s2;
	_ =	strace s9  }
0x27: {  	s1 =	sld [smem:$0x3FAC]  }
0x28: {  	s2 =	sld [smem:$0x3FAD]  }
0x29: {  	s4 =	sld [smem:$0x3FAF]  }
0x2a: {  	p0 =	seq.s32 s5, $0x0;
	s5 =	sld [smem:$0x3FB0]  }
0x2b: {  	s6 =	sld [smem:$0x3FB1]  }
0x2c: {  	s7 =	sld [smem:$0x3FB2]  }
0x2d: {  	s3 =	simm.s32 $0x108;
	s8 =	sld [smem:$0x3FB3]  }
0x2e: {  	s3 =	simm.s32 @!p0 $0x1082;
	s9 =	sld [smem:$0x3FB4]  }
0x2f: {  	lr =	sadd.s32 s0, s3;
	s0 =	sld [smem:$0x3FAB]  }
0x30: {  	s3 =	sld [smem:$0x3FAE]  }
0x31: {  	[smem:$0x3FB7] =	sst s10  }
0x32: {  	s10 =	sld [smem:$0x3FB5];
	_ =	sdelay $0x3  }
0x33: {  	p0 =	seq.s32 s10, $0x1;
	s10 =	sld [smem:$0x3FB7];
	_ =	sdelay $0x3  }
0x34: {  	[smem:$0x3FB7] =	sst s10  }
0x35: {  	s10 =	sld [smem:$0x3FB6];
	_ =	sdelay $0x3  }
0x36: {  	p1 =	seq.s32 s10, $0x1;
	s10 =	sld [smem:$0x3FB7];
	_ =	sdelay $0x3  }
0x37: {  	[smem:$0x3FB7] =	sst s10  }
0x38: {  	s10 =	sld [smem:$0x3FB8]  }
0x39: {  	_ = 	snop;
	(pc) =	sbr.ind lr, $3  }
0x3a: {  	_ = 	snop  }
0x3b: {  	_ = 	snop  }
0x3c: {  	p2 =	seq.s32 s10, $0x1;
	s10 =	sld [smem:$0x3FB7]  }
0x3d: {  	_ =	shalt  }
0x3e: {  	_ =	shalt  }
0x3f: {  	_ =	shalt  }
0x40: {  	_ =	shalt  }
0x41: {  	_ =	shalt  }
0x42: {  	_ =	shalt  }
0x43: {  	_ =	shalt  }
0x44: {  	_ =	shalt  }
0x45: {  	_ =	shalt  }
0x46: {  	_ =	shalt  }
0x47: {  	_ =	shalt  }
0x48: {  	_ =	shalt  }
0x49: {  	_ =	shalt  }
0x4a: {  	_ =	shalt  }
0x4b: {  	_ =	shalt  }
0x4c: {  	_ =	shalt  }
0x4d: {  	_ =	shalt  }
0x4e: {  	_ =	shalt  }
0x4f: {  	_ =	shalt  }
0x50: {  	_ =	shalt  }
0x51: {  	_ =	shalt  }
0x52: {  	_ =	shalt  }
0x53: {  	_ =	shalt  }
0x54: {  	_ =	shalt  }
0x55: {  	_ =	shalt  }
0x56: {  	_ =	shalt  }
0x57: {  	_ =	shalt  }
0x58: {  	_ =	shalt  }
0x59: {  	_ =	shalt  }
0x5a: {  	_ =	shalt  }
0x5b: {  	_ =	shalt  }
0x5c: {  	_ =	shalt  }
0x5d: {  	_ =	shalt  }
0x5e: {  	_ =	shalt  }
0x5f: {  	_ =	shalt  }
0x60: {  	_ =	shalt  }
0x61: {  	_ =	shalt  }
0x62: {  	_ =	shalt  }
0x63: {  	_ =	shalt  }
0x64: {  	_ =	shalt  }
0x65: {  	_ =	shalt  }
0x66: {  	_ =	shalt  }
0x67: {  	_ =	shalt  }
0x68: {  	_ =	shalt  }
0x69: {  	_ =	shalt  }
0x6a: {  	_ =	shalt  }
0x6b: {  	_ =	shalt  }
0x6c: {  	_ =	shalt  }
0x6d: {  	_ =	shalt  }
0x6e: {  	_ =	shalt  }
0x6f: {  	_ =	shalt  }
0x70: {  	_ =	shalt  }
0x71: {  	_ =	shalt  }
0x72: {  	_ =	shalt  }
0x73: {  	_ =	shalt  }
0x74: {  	_ =	shalt  }
0x75: {  	_ =	shalt  }
0x76: {  	_ =	shalt  }
0x77: {  	_ =	shalt  }
0x78: {  	_ =	shalt  }
0x79: {  	_ =	shalt  }
0x7a: {  	_ =	shalt  }
0x7b: {  	_ =	shalt  }
0x7c: {  	_ =	shalt  }
0x7d: {  	_ =	shalt  }
0x7e: {  	_ =	shalt  }
0x7f: {  	_ =	shalt  }
0x80: {  	_ =	shalt  }
0x81: {  	_ =	shalt  }
0x82: {  	_ =	shalt  }
0x83: {  	_ =	shalt  }
0x84: {  	_ =	shalt  }
0x85: {  	_ =	shalt  }
0x86: {  	_ =	shalt  }
0x87: {  	_ =	shalt  }
.Lfunc_end0:
.L_simem_size_0:
called_computation.1_lowered:
.L_overlay_start_0:
0x88: {  	s2 =	sld [smem:$0x3FD9]  }
0x89: {  	s3 =	sld [smem:$0x3FFE];
	_ =	sdelay $0x1  }
0x8a: {  	s1 =	srdreg.scid  }
0x8b: {  	s0 =	sand.u32 $0x1, s1  }
0x8c: {  	s16 =	sshll.u32 s0, $0xA;
	s2 =	sadd.s32 s3, s2  }
0x8d: {  	s2 =	sadd.s32 s2, s16  }
0x8e: {  	[smem:$0x3FC3] =	sst s2  }
0x8f: {  	_ = 	snop  }
0x90: {  	(tm) =	ssettm $0x1  }
0x91: {  	s17 =	sld [smem:$0x3FFB];
	_ =	sdelay $0x3  }
0x92: {  	_ =	strace s17  }
0x93: {  	s2 =	sld [smem:$0x3FFC];
	_ =	sdelay $0x3  }
0x94: {  	_ =	strace s2  }
0x95: {  	s2 =	sld [smem:$0x3FFD];
	_ =	sdelay $0x3  }
0x96: {  	_ =	strace s2  }
0x97: {  	_ =	strace $0x8FFFFFFF  }
0x98: {  	s18 =	sld [smem:$0x3FDB];
	_ =	sdelay $0x1  }
0x99: {  	s19 =	simm.s32 $_scs_section_size  }
0x9a: {  	s4 =	simm.s32 $_size__tile_overlayer_lowered;
	s5 =	simm.s32 $_tile_overlayer_lowered  }
0x9b: {  	s22 =	simm.s32 $0x1BFF;
	s21 =	sshll.u32 s5, $0x1;
	s2 =	sadd.s32 s19, s18  }
0x9c: {  	s6 =	simm.s32 $0x0;
	s20 =	sshll.u32 s4, $0x1;
	s4 =	sadd.s32 s21, s2  }
0x9d: {  	[timem:s6], [sflag:s22] =	dma.local [hbm:s4], s20  }
0x9e: {  	_ =	swait.ge [sflag:s22], s20  }
0x9f: {  	s3 =	ssub.s32 $0x0, s20;
	[sflag:s22] =	ssyncset.done $0x0  }
0xa0: {  	[sflag:s22] =	ssyncadd.s32 s3;
	_ =	sdelay $0x1  }
0xa1: {  	s23 =	simm.s32 $0x1B8B  }
0xa2: {  	_ =	swait.ge [sflag:s23], $0x1  }
0xa3: {  	[sflag:s23] =	ssyncset.done $0x0  }
0xa4: {  	s25 =	simm.s32 $0x1B8E;
	s24 =	sld [smem:$0x3FFE];
	[sflag:s23] =	ssyncadd.s32 $0xFFFFFFFF  }
0xa5: {  	s26 =	simm.s32 $execute0_lowered;
	[smem:$0x3FD2] =	sst s25  }
0xa6: {  	s4 =	sshll.u32 s26, $0x1;
	_ =	strace $0x80000049;
	[dreg:$0x1] =	wrdreg $0xFFFFFFFF  }
0xa7: {  	s28 =	simm.s32 $_size_execute0_lowered;
	s2 =	sadd.s32 s2, s4;
	[dreg:$0x0] =	wrdreg $0x0  }
0xa8: {  	s4 =	sshll.u32 s28, $0x1;
	[dreg:$0x2] =	wrdreg s2  }
0xa9: {  	[dreg:$0x3] =	wrdreg s4  }
0xaa: {  	[dreg:$0x4] =	wrdreg $0xC0  }
0xab: {  	_ =	task [dreg:s6], $0x5FFFF  }
0xac: {  	[dreg:$0x1] =	wrdreg $0xFFFFFFFF  }
0xad: {  	[dreg:$0x0] =	wrdreg $0x60  }
0xae: {  	[dreg:$0x2] =	wrdreg s24  }
0xaf: {  	[dreg:$0x3] =	wrdreg $0x9  }
0xb0: {  	_ =	task.clear_ibuf [dreg:s6], $0x4FFFF;
	_ =	strace $0x90000049  }
0xb1: {  	s29 =	simm.s32 $0x9;
	_ =	strace $0x8000004B  }
0xb2: {  	_ =	swait.ge [sflag:s29], $0x1  }
0xb3: {  	[sflag:s29] =	ssyncadd.s32 $0xFFFFFFFF  }
0xb4: {  	_ =	strace $0x9000004B  }
0xb5: {  	_ =	sfence  }
0xb6: {  	s30 =	sld [smem:$0x0];
	_ =	sdelay $0x2  }
0xb7: {  	s31 =	sshll.u32 s1, $0xD;
	s1 =	sshrl.u32 s1, $0x2  }
0xb8: {  	s3 =	sand.u32 $0x4000, s31;
	s1 =	sadd.s32 s1, s30  }
0xb9: {  	s0 =	sor.u32 s3, s0;
	s1 =	sshll.u32 s1, $0x11  }
0xba: {  	s0 =	sor.u32 s1, s0  }
0xbb: {  	s0 =	sadd.s32 $0x8F2B, s0  }
0xbc: {  	[sflag:s0] =	ssyncadd.remote.s32 $0x1  }
0xbd: {  	_ =	sfence.sel $0xFFFF  }
0xbe: {  	[dreg:$0x0] =	wrdreg $0xFFFFFFFF;
	(pc) =	sbr.abs _section_cstart, $3  }
0xbf: {  	[dreg:$0x1] =	wrdreg $0xFFFFFFFF  }
0xc0: {  	_ =	task.clear_ibuf [dreg:s6], $0x2FFFF;
	_ =	strace $0x9FFFFFFF  }
0xc1: {  	(tm) =	ssettm $0x7FFFFFFF  }
tec
execute0_lowered:
.L_overlay_start_1:
0x0: {  	(tag) =	ssettag $0x1  }
0x1: {  	s1 =	srdreg.scid;
	s0 =	stileid.u32  }
0x2: {  	s19 =	sand.u32 $0x1, s1;
	s30 =	sshll.u32 s0, $0x1  }
0x3: {  	s15 =	sor.u32 s19, s30  }
0x4: {  	s14 =	rddreg [dreg:$0x0];
	s3 =	smul.u32 $0x28, s15  }
0x5: {  	s2 =	simm.s32 $0x0;
	s1 =	rddreg [dreg:$0x1]  }
0x6: {  	[smem:$0x7FF] =	sst s2;
	s3 =	sadd.s32 s3, s14  }
0x7: {  	_ =	strace $0x8000004A;
	s4 =	sadd.s32 $0x66200, s3;
	s3 =	simm.s32 $0x5  }
0x8: {  	[tilespmem:s2], [sflag:$0x5] =	stream.linear.gather [hbm4b:s4+s2], $0x140, $0x38;
	[tilespmem:$0xA180] =	vst v63  }
0x9: {  	_ =	swait.ge [sflag:s3], $0x140  }
0xa: {  	s6 =	simm.s32 $0x50;
	[sflag:s3] =	ssyncset.done $0x0  }
0xb: {  	s7 =	simm.s32 $0x180;
	s5 =	sadd.s32 $0x1600, s14;
	[sflag:s3] =	ssyncadd.s32 $0xFFFFFEC0  }
0xc: {  	[tilespmem:s7], [sflag:$0x1] =	stream.indirect.gather [hbm4b:s5+s6], $0x80, s2, s6, $0xb8;
	[tilespmem:$0xA180] =	vst v63  }
0xd: {  	s8 =	simm.s32 $0x2980  }
0xe: {  	[tilespmem:s8], [sflag:$0x2] =	stream.indirect.gather [hbm4b:s5+s6], $0x80, s6, s6, $0xb8;
	[tilespmem:$0xA180] =	vst v63  }
0xf: {  	s9 =	simm.s32 $0xA0;
	s10 =	simm.s32 $0x5180  }
0x10: {  	[tilespmem:s10], [sflag:$0x3] =	stream.indirect.gather [hbm4b:s5+s6], $0x80, s9, s6, $0xb8;
	[tilespmem:$0xA180] =	vst v63  }
0x11: {  	s11 =	simm.s32 $0xF0;
	s12 =	simm.s32 $0x7980;
	s13 =	simm.s32 $0x1  }
0x12: {  	[tilespmem:s12], [sflag:$0x4] =	stream.indirect.gather [hbm4b:s5+s6], $0x80, s11, s6, $0xb8;
	[tilespmem:$0xA180] =	vst v63  }
0x13: {  	s16 =	smul.u32 $0x1400, s15;
	_ =	swait.ge [sflag:s13], $0x2800  }
0x14: {  	s17 =	sadd.s32 $0x28800, s14;
	[sflag:s13] =	ssyncset.done $0x0  }
0x15: {  	s14 =	sadd.s32 s17, s16;
	[sflag:s13] =	ssyncadd.s32 $0xFFFFD800  }
0x16: {  	[hbm4b:s14+s2] =	stream.linear.scatter [tilespmem:s7], [sflag:$0x5], $0x2800, $0x38;
	[tilespmem:$0xA180] =	vst v63  }
0x17: {  	_ =	swait.ge [sflag:s3], $0x2800  }
0x18: {  	s31 =	smul.u32 $0xA000, s15;
	[sflag:s3] =	ssyncset.done $0x0  }
0x19: {  	s15 =	simm.s32 $0x2;
	[sflag:s3] =	ssyncadd.s32 $0xFFFFD800  }
0x1a: {  	s16 =	sshrl.u32 s31, $0x3;
	_ =	swait.ge [sflag:s15], $0x2800  }
0x1b: {  	s20 =	sadd.s32 s17, s16;
	[sflag:s15] =	ssyncset.done $0x0  }
0x1c: {  	s16 =	sadd.s32 $0x500, s20;
	[sflag:s15] =	ssyncadd.s32 $0xFFFFD800  }
0x1d: {  	[hbm4b:s16+s2] =	stream.linear.scatter [tilespmem:s8], [sflag:$0x5], $0x2800, $0x38;
	[tilespmem:$0xA180] =	vst v63  }
0x1e: {  	_ =	swait.ge [sflag:s3], $0x2800  }
0x1f: {  	[sflag:s3] =	ssyncset.done $0x0  }
0x20: {  	s17 =	simm.s32 $0x3;
	[sflag:s3] =	ssyncadd.s32 $0xFFFFD800  }
0x21: {  	_ =	swait.ge [sflag:s17], $0x2800  }
0x22: {  	[sflag:s17] =	ssyncset.done $0x0  }
0x23: {  	s21 =	ssub.s32 $0x2, s19;
	s18 =	sadd.s32 $0xA00, s20;
	[sflag:s17] =	ssyncadd.s32 $0xFFFFD800  }
0x24: {  	[hbm4b:s18+s2] =	stream.linear.scatter [tilespmem:s10], [sflag:$0x5], $0x2800, $0x38;
	[tilespmem:$0xA180] =	vst v63  }
0x25: {  	s22 =	sshrl.u32 s21, $0x1;
	_ =	swait.ge [sflag:s3], $0x2800  }
0x26: {  	s21 =	ssub.s32 s21, s22;
	[sflag:s3] =	ssyncset.done $0x0  }
0x27: {  	s19 =	simm.s32 $0x4;
	s21 =	smax.u32 s21, $0x1;
	[sflag:s3] =	ssyncadd.s32 $0xFFFFD800  }
0x28: {  	p0 =	sne.s32 s21, $0x1;
	_ =	swait.ge [sflag:s19], $0x2800  }
.Ltmp0:
0x29: {  	[sflag:s19] =	ssyncset.done $0x0;
	(pc) =	sbr.rel @!p0 .LBB2_2-.Ltmp0, $4  }
0x2a: {  	s20 =	sadd.s32 $0xF00, s20;
	[sflag:s19] =	ssyncadd.s32 $0xFFFFD800  }
0x2b: {  	[hbm4b:s20+s2] =	stream.linear.scatter [tilespmem:s12], [sflag:$0x5], $0x2800, $0x38;
	[tilespmem:$0xA180] =	vst v63  }
0x2c: {  	_ =	swait.ge [sflag:s3], $0x2800  }
0x2d: {  	s21 =	sadd.s32 $0xFFFFFFFF, s21;
	[sflag:s3] =	ssyncset.done $0x0  }
.LBB2_1:
0x2e: {  	p0 =	sne.s32 s21, $0x1;
	s21 =	sadd.s32 $0xFFFFFFFF, s21;
	[sflag:s3] =	ssyncadd.s32 $0xFFFFD800  }
0x2f: {  	[tilespmem:s2], [sflag:$0x5] =	stream.linear.gather [hbm4b:s4+s2], $0x140, $0x38;
	[tilespmem:$0xA180] =	vst v63  }
0x30: {  	_ =	swait.ge [sflag:s3], $0x140  }
0x31: {  	[sflag:s3] =	ssyncset.done $0x0  }
0x32: {  	[sflag:s3] =	ssyncadd.s32 $0xFFFFFEC0  }
0x33: {  	[tilespmem:s7], [sflag:$0x1] =	stream.indirect.gather [hbm4b:s5+s6], $0x80, s2, s6, $0xb8;
	[tilespmem:$0xA180] =	vst v63  }
0x34: {  	_ = 	snop  }
0x35: {  	[tilespmem:s8], [sflag:$0x2] =	stream.indirect.gather [hbm4b:s5+s6], $0x80, s6, s6, $0xb8;
	[tilespmem:$0xA180] =	vst v63  }
0x36: {  	_ = 	snop  }
0x37: {  	[tilespmem:s10], [sflag:$0x3] =	stream.indirect.gather [hbm4b:s5+s6], $0x80, s9, s6, $0xb8;
	[tilespmem:$0xA180] =	vst v63  }
0x38: {  	_ = 	snop  }
0x39: {  	[tilespmem:s12], [sflag:$0x4] =	stream.indirect.gather [hbm4b:s5+s6], $0x80, s11, s6, $0xb8;
	[tilespmem:$0xA180] =	vst v63  }
0x3a: {  	_ =	swait.ge [sflag:s13], $0x2800  }
0x3b: {  	[sflag:s13] =	ssyncset.done $0x0  }
0x3c: {  	[sflag:s13] =	ssyncadd.s32 $0xFFFFD800  }
0x3d: {  	[hbm4b:s14+s2] =	stream.linear.scatter [tilespmem:s7], [sflag:$0x5], $0x2800, $0x38;
	[tilespmem:$0xA180] =	vst v63  }
0x3e: {  	_ =	swait.ge [sflag:s3], $0x2800  }
0x3f: {  	[sflag:s3] =	ssyncset.done $0x0  }
0x40: {  	[sflag:s3] =	ssyncadd.s32 $0xFFFFD800  }
0x41: {  	_ =	swait.ge [sflag:s15], $0x2800  }
0x42: {  	[sflag:s15] =	ssyncset.done $0x0  }
0x43: {  	[sflag:s15] =	ssyncadd.s32 $0xFFFFD800  }
0x44: {  	[hbm4b:s16+s2] =	stream.linear.scatter [tilespmem:s8], [sflag:$0x5], $0x2800, $0x38;
	[tilespmem:$0xA180] =	vst v63  }
0x45: {  	_ =	swait.ge [sflag:s3], $0x2800  }
0x46: {  	[sflag:s3] =	ssyncset.done $0x0  }
0x47: {  	[sflag:s3] =	ssyncadd.s32 $0xFFFFD800  }
0x48: {  	_ =	swait.ge [sflag:s17], $0x2800  }
0x49: {  	[sflag:s17] =	ssyncset.done $0x0  }
0x4a: {  	[sflag:s17] =	ssyncadd.s32 $0xFFFFD800  }
0x4b: {  	[hbm4b:s18+s2] =	stream.linear.scatter [tilespmem:s10], [sflag:$0x5], $0x2800, $0x38;
	[tilespmem:$0xA180] =	vst v63  }
0x4c: {  	_ =	swait.ge [sflag:s3], $0x2800  }
0x4d: {  	[sflag:s3] =	ssyncset.done $0x0  }
0x4e: {  	[sflag:s3] =	ssyncadd.s32 $0xFFFFD800  }
0x4f: {  	_ =	swait.ge [sflag:s19], $0x2800  }
.Ltmp1:
0x50: {  	[sflag:s19] =	ssyncset.done $0x0;
	(pc) =	sbr.rel @p0 .LBB2_1-.Ltmp1, $4  }
0x51: {  	[sflag:s19] =	ssyncadd.s32 $0xFFFFD800  }
0x52: {  	[hbm4b:s20+s2] =	stream.linear.scatter [tilespmem:s12], [sflag:$0x5], $0x2800, $0x38;
	[tilespmem:$0xA180] =	vst v63  }
0x53: {  	_ =	swait.ge [sflag:s3], $0x2800  }
0x54: {  	[sflag:s3] =	ssyncset.done $0x0  }
.LBB2_2:
0x55: {  	[sflag:s3] =	ssyncadd.s32 $0xFFFFD800  }
0x56: {  	_ =	sfence.sel $0x180000  }
0x57: {  	[bflag:$0x0] =	sbarrier.arrive $0xFFFF  }
0x58: {  	p0 =	sne.s32 s0, $0x0;
	_ =	strace $0x9000004A  }
0x59: {  	s0 =	sadd.s32 @!p0 $0x100000, s1;
	[bflag:$0x2] =	sbarrier.arrive $0xFFFF  }
0x5a: {  	[sflag:s0] =	ssyncadd.tile.s32 @!p0 $0x1;
	_ =	shalt  }
.Lfunc_end2:
_tile_overlayer_lowered:
.L_overlay_start_2:
0x5b: {  	(tag) =	ssettag $0x2  }
0x5c: {  	s0 =	rddreg [dreg:$0x0];
	s2 =	stileid.u32  }
0x5d: {  	s1 =	rddreg [dreg:$0x1];
	p0 =	sne.s32 s2, $0x0  }
0x5e: {  	s3 =	rddreg [dreg:$0x2];
	[bflag:$0x3] =	sbarrier.arrive $0xFFFF;
	s2 =	simm.s32 @!p0 $0x1C05  }
0x5f: {  	[timem:s3], [sflag:s2] =	dma.local @!p0 [hbm:s0], s1  }
0x60: {  	s0 =	simm.s32 @!p0 $0x5  }
0x61: {  	_ =	swait.ge @!p0 [sflag:s0], s1  }
0x62: {  	s1 =	ssub.s32 @!p0 $0x0, s1;
	[sflag:s0] =	ssyncset.done @!p0 $0x0  }
0x63: {  	[sflag:s0] =	ssyncadd.s32 @!p0 s1  }
0x64: {  	[bflag:$0x3] =	sbarrier.arrive $0xFFFF  }
0x65: {  	_ =	shalt  }

</sc_bundles>
